<compile_context>
chip_gen: v7x
topology: tpu7x:2x2x1
jax: 0.10.2.dev20260603
libtpu: 0.0.44.dev20260713+nightly
codegen_flags: <defaults>
</compile_context>

<pallas_src>
import functools

import jax
import jax.numpy as jnp
from jax import lax
from jax.experimental import pallas as pl
from jax.experimental.pallas import tpu as pltpu
from jax.experimental.pallas import tpu_sc as plsc

_NUM_CORES = 2
_NUM_SUBCORES = 16
_NUM_WORKERS = _NUM_CORES * _NUM_SUBCORES
_LANES = 16


@functools.cache
def _make_reverse_kernel(M, N, R, depth, nbo):
    rows_per_w = M // _NUM_WORKERS
    nblk = rows_per_w // R
    assert nblk % depth == 0 and depth % nbo == 0

    mesh = plsc.VectorSubcoreMesh(core_axis_name="c", subcore_axis_name="s")

    scratch = ([pltpu.VMEM((R, N), jnp.float32)] * (depth + nbo)
               + [pltpu.SemaphoreType.DMA] * (depth + nbo))

    @functools.partial(
        pl.kernel,
        out_type=jax.ShapeDtypeStruct((M, N), jnp.float32),
        mesh=mesh,
        scratch_types=scratch,
    )
    def k(in_hbm, out_hbm, *refs):
        bi = refs[:depth]
        bo = refs[depth:depth + nbo]
        si = refs[depth + nbo:2 * depth + nbo]
        so = refs[2 * depth + nbo:2 * depth + 2 * nbo]

        wid = lax.axis_index("s") * _NUM_CORES + lax.axis_index("c")
        base_row = wid * rows_per_w

        def start_in(blk, d):
            pltpu.async_copy(
                in_hbm.at[pl.ds(base_row + blk * R, R)], bi[d], si[d])

        def wait_in(d):
            pltpu.make_async_copy(
                in_hbm.at[pl.ds(base_row, R)], bi[d], si[d]).wait()

        def start_out(blk, s):
            pltpu.async_copy(
                bo[s], out_hbm.at[pl.ds(base_row + blk * R, R)], so[s])

        def wait_out(s):
            pltpu.make_async_copy(
                bo[s], out_hbm.at[pl.ds(base_row, R)], so[s]).wait()

        def compute(buf_in, buf_out):
            for r in range(R):
                @plsc.parallel_loop(0, N, step=_LANES, unroll=8)
                def _(c):
                    v = buf_in[r, pl.ds(N - _LANES - c, _LANES)]
                    buf_out[r, pl.ds(c, _LANES)] = lax.rev(v, dimensions=(0,))

        for d in range(depth):
            start_in(d, d)

        def group_body(g, carry):
            blk0 = depth * g
            for d in range(depth):
                b = blk0 + d
                s = d % nbo
                wait_in(d)

                if d >= nbo:
                    wait_out(s)
                else:
                    @pl.when(g > 0)
                    def _():
                        wait_out(s)

                compute(bi[d], bo[s])
                start_out(b, s)

                @pl.when(b + depth < nblk)
                def _():
                    start_in(b + depth, d)
            return carry

        lax.fori_loop(0, nblk // depth, group_body, 0)
        for s in range(nbo):
            wait_out(s)

    return k


def kernel(inputs):
    M, N = inputs.shape
    return _make_reverse_kernel(M, N, 2, 8, 4)(inputs)

# --- scband reference (transcript-rebuilt; emitter-appended) ---
"""Pipeline reference for scband-shuffle-15384572854832 (READ-ONLY COPY).

The authoritative reference and input builder live on the scoring server;
editing this copy changes nothing except your own understanding.
"""

import jax, jax.numpy as jnp
import numpy as np


def setup_inputs(seed: int = 0) -> dict:
    key = jax.random.key(seed)
    inputs = jax.random.normal(key, (8192, 4096), dtype=jnp.float32)
    return {"inputs": inputs}


def reference(inputs):
    # Shuffle layer with idxs=None, mode='reverse':
    # idxs = list(range(v_dim))[::-1]
    # out = transpose(gather(transpose(inputs), idxs))
    v_dim = inputs.shape[-1]
    idxs = jnp.arange(v_dim - 1, -1, -1, dtype=jnp.int32)
    xt = jnp.transpose(inputs)
    gathered = jnp.take(xt, idxs, axis=0)
    outputs = jnp.transpose(gathered)
    return outputs

if __name__ == "__main__":
    import jax
    _d = setup_inputs()
    print(jax.jit(kernel)(*tuple(_d.values())))

</pallas_src>

<mosaic_0001>
#map = affine_map<(d0, d1) -> (0, 0)>
module attributes {stable_mosaic.version = 14 : i64} {
  func.func @k(%arg0: i32, %arg1: i32, %arg2: memref<8192x4096xf32, #tpu.memory_space<hbm>>, %arg3: memref<8192x4096xf32, #tpu.memory_space<hbm>>, %arg4: memref<2x4096xf32, #tpu.memory_space<vmem>>, %arg5: memref<2x4096xf32, #tpu.memory_space<vmem>>, %arg6: memref<2x4096xf32, #tpu.memory_space<vmem>>, %arg7: memref<2x4096xf32, #tpu.memory_space<vmem>>, %arg8: memref<2x4096xf32, #tpu.memory_space<vmem>>, %arg9: memref<2x4096xf32, #tpu.memory_space<vmem>>, %arg10: memref<2x4096xf32, #tpu.memory_space<vmem>>, %arg11: memref<2x4096xf32, #tpu.memory_space<vmem>>, %arg12: memref<2x4096xf32, #tpu.memory_space<vmem>>, %arg13: memref<2x4096xf32, #tpu.memory_space<vmem>>, %arg14: memref<2x4096xf32, #tpu.memory_space<vmem>>, %arg15: memref<2x4096xf32, #tpu.memory_space<vmem>>, %arg16: memref<!tpu.dma_semaphore, #tpu.memory_space<semaphore_mem>>, %arg17: memref<!tpu.dma_semaphore, #tpu.memory_space<semaphore_mem>>, %arg18: memref<!tpu.dma_semaphore, #tpu.memory_space<semaphore_mem>>, %arg19: memref<!tpu.dma_semaphore, #tpu.memory_space<semaphore_mem>>, %arg20: memref<!tpu.dma_semaphore, #tpu.memory_space<semaphore_mem>>, %arg21: memref<!tpu.dma_semaphore, #tpu.memory_space<semaphore_mem>>, %arg22: memref<!tpu.dma_semaphore, #tpu.memory_space<semaphore_mem>>, %arg23: memref<!tpu.dma_semaphore, #tpu.memory_space<semaphore_mem>>, %arg24: memref<!tpu.dma_semaphore, #tpu.memory_space<semaphore_mem>>, %arg25: memref<!tpu.dma_semaphore, #tpu.memory_space<semaphore_mem>>, %arg26: memref<!tpu.dma_semaphore, #tpu.memory_space<semaphore_mem>>, %arg27: memref<!tpu.dma_semaphore, #tpu.memory_space<semaphore_mem>>) attributes {dimension_semantics = [#tpu.dimension_semantics<core_parallel>, #tpu.dimension_semantics<subcore_parallel>], iteration_bounds = array<i64: 2, 16>, scalar_prefetch = 0 : i64, scratch_operands = 24 : i64, tpu.core_type = #tpu.core_type<sc_vector_subcore>, window_params = [{transform_indices = #map}, {transform_indices = #map}]} {
    %mul3A = arith.constant 2 : i32
    %mul3A_0 = arith.muli %arg1, %mul3A : i32
    %add3A = arith.addi %mul3A_0, %arg0 : i32
    %mul3A_1 = arith.constant 256 : i32
    %mul3A_2 = arith.muli %add3A, %mul3A_1 : i32
    %add3A_3 = arith.constant 0 : i32
    %add3A_4 = arith.addi %mul3A_2, %add3A_3 : i32
    %dma_start3A = arith.constant 0 : i32
    %dma_start3A_5 = tpu.memref_slice %arg2[%add3A_4, %dma_start3A] : memref<8192x4096xf32, #tpu.memory_space<hbm>> -> memref<2x4096xf32, #tpu.memory_space<hbm>>
    %dma_start3A_6 = arith.constant 0 : i32
    %dma_start3A_7 = tpu.memref_slice %arg2[%add3A_4, %dma_start3A_6] : memref<8192x4096xf32, #tpu.memory_space<hbm>> -> memref<2x4096xf32, #tpu.memory_space<hbm>>
    tpu.enqueue_dma source(%dma_start3A_7 : memref<2x4096xf32, #tpu.memory_space<hbm>>) target(%arg4 : memref<2x4096xf32, #tpu.memory_space<vmem>>) target_semaphore(%arg16 : memref<!tpu.dma_semaphore, #tpu.memory_space<semaphore_mem>>)
    %add3A_8 = arith.constant 2 : i32
    %add3A_9 = arith.addi %mul3A_2, %add3A_8 : i32
    %dma_start3A_10 = arith.constant 0 : i32
    %dma_start3A_11 = tpu.memref_slice %arg2[%add3A_9, %dma_start3A_10] : memref<8192x4096xf32, #tpu.memory_space<hbm>> -> memref<2x4096xf32, #tpu.memory_space<hbm>>
    %dma_start3A_12 = arith.constant 0 : i32
    %dma_start3A_13 = tpu.memref_slice %arg2[%add3A_9, %dma_start3A_12] : memref<8192x4096xf32, #tpu.memory_space<hbm>> -> memref<2x4096xf32, #tpu.memory_space<hbm>>
    tpu.enqueue_dma source(%dma_start3A_13 : memref<2x4096xf32, #tpu.memory_space<hbm>>) target(%arg5 : memref<2x4096xf32, #tpu.memory_space<vmem>>) target_semaphore(%arg17 : memref<!tpu.dma_semaphore, #tpu.memory_space<semaphore_mem>>)
    %add3A_14 = arith.constant 4 : i32
    %add3A_15 = arith.addi %mul3A_2, %add3A_14 : i32
    %dma_start3A_16 = arith.constant 0 : i32
    %dma_start3A_17 = tpu.memref_slice %arg2[%add3A_15, %dma_start3A_16] : memref<8192x4096xf32, #tpu.memory_space<hbm>> -> memref<2x4096xf32, #tpu.memory_space<hbm>>
    %dma_start3A_18 = arith.constant 0 : i32
    %dma_start3A_19 = tpu.memref_slice %arg2[%add3A_15, %dma_start3A_18] : memref<8192x4096xf32, #tpu.memory_space<hbm>> -> memref<2x4096xf32, #tpu.memory_space<hbm>>
    tpu.enqueue_dma source(%dma_start3A_19 : memref<2x4096xf32, #tpu.memory_space<hbm>>) target(%arg6 : memref<2x4096xf32, #tpu.memory_space<vmem>>) target_semaphore(%arg18 : memref<!tpu.dma_semaphore, #tpu.memory_space<semaphore_mem>>)
    %add3A_20 = arith.constant 6 : i32
    %add3A_21 = arith.addi %mul3A_2, %add3A_20 : i32
    %dma_start3A_22 = arith.constant 0 : i32
    %dma_start3A_23 = tpu.memref_slice %arg2[%add3A_21, %dma_start3A_22] : memref<8192x4096xf32, #tpu.memory_space<hbm>> -> memref<2x4096xf32, #tpu.memory_space<hbm>>
    %dma_start3A_24 = arith.constant 0 : i32
    %dma_start3A_25 = tpu.memref_slice %arg2[%add3A_21, %dma_start3A_24] : memref<8192x4096xf32, #tpu.memory_space<hbm>> -> memref<2x4096xf32, #tpu.memory_space<hbm>>
    tpu.enqueue_dma source(%dma_start3A_25 : memref<2x4096xf32, #tpu.memory_space<hbm>>) target(%arg7 : memref<2x4096xf32, #tpu.memory_space<vmem>>) target_semaphore(%arg19 : memref<!tpu.dma_semaphore, #tpu.memory_space<semaphore_mem>>)
    %add3A_26 = arith.constant 8 : i32
    %add3A_27 = arith.addi %mul3A_2, %add3A_26 : i32
    %dma_start3A_28 = arith.constant 0 : i32
    %dma_start3A_29 = tpu.memref_slice %arg2[%add3A_27, %dma_start3A_28] : memref<8192x4096xf32, #tpu.memory_space<hbm>> -> memref<2x4096xf32, #tpu.memory_space<hbm>>
    %dma_start3A_30 = arith.constant 0 : i32
    %dma_start3A_31 = tpu.memref_slice %arg2[%add3A_27, %dma_start3A_30] : memref<8192x4096xf32, #tpu.memory_space<hbm>> -> memref<2x4096xf32, #tpu.memory_space<hbm>>
    tpu.enqueue_dma source(%dma_start3A_31 : memref<2x4096xf32, #tpu.memory_space<hbm>>) target(%arg8 : memref<2x4096xf32, #tpu.memory_space<vmem>>) target_semaphore(%arg20 : memref<!tpu.dma_semaphore, #tpu.memory_space<semaphore_mem>>)
    %add3A_32 = arith.constant 10 : i32
    %add3A_33 = arith.addi %mul3A_2, %add3A_32 : i32
    %dma_start3A_34 = arith.constant 0 : i32
    %dma_start3A_35 = tpu.memref_slice %arg2[%add3A_33, %dma_start3A_34] : memref<8192x4096xf32, #tpu.memory_space<hbm>> -> memref<2x4096xf32, #tpu.memory_space<hbm>>
    %dma_start3A_36 = arith.constant 0 : i32
    %dma_start3A_37 = tpu.memref_slice %arg2[%add3A_33, %dma_start3A_36] : memref<8192x4096xf32, #tpu.memory_space<hbm>> -> memref<2x4096xf32, #tpu.memory_space<hbm>>
    tpu.enqueue_dma source(%dma_start3A_37 : memref<2x4096xf32, #tpu.memory_space<hbm>>) target(%arg9 : memref<2x4096xf32, #tpu.memory_space<vmem>>) target_semaphore(%arg21 : memref<!tpu.dma_semaphore, #tpu.memory_space<semaphore_mem>>)
    %add3A_38 = arith.constant 12 : i32
    %add3A_39 = arith.addi %mul3A_2, %add3A_38 : i32
    %dma_start3A_40 = arith.constant 0 : i32
    %dma_start3A_41 = tpu.memref_slice %arg2[%add3A_39, %dma_start3A_40] : memref<8192x4096xf32, #tpu.memory_space<hbm>> -> memref<2x4096xf32, #tpu.memory_space<hbm>>
    %dma_start3A_42 = arith.constant 0 : i32
    %dma_start3A_43 = tpu.memref_slice %arg2[%add3A_39, %dma_start3A_42] : memref<8192x4096xf32, #tpu.memory_space<hbm>> -> memref<2x4096xf32, #tpu.memory_space<hbm>>
    tpu.enqueue_dma source(%dma_start3A_43 : memref<2x4096xf32, #tpu.memory_space<hbm>>) target(%arg10 : memref<2x4096xf32, #tpu.memory_space<vmem>>) target_semaphore(%arg22 : memref<!tpu.dma_semaphore, #tpu.memory_space<semaphore_mem>>)
    %add3A_44 = arith.constant 14 : i32
    %add3A_45 = arith.addi %mul3A_2, %add3A_44 : i32
    %dma_start3A_46 = arith.constant 0 : i32
    %dma_start3A_47 = tpu.memref_slice %arg2[%add3A_45, %dma_start3A_46] : memref<8192x4096xf32, #tpu.memory_space<hbm>> -> memref<2x4096xf32, #tpu.memory_space<hbm>>
    %dma_start3A_48 = arith.constant 0 : i32
    %dma_start3A_49 = tpu.memref_slice %arg2[%add3A_45, %dma_start3A_48] : memref<8192x4096xf32, #tpu.memory_space<hbm>> -> memref<2x4096xf32, #tpu.memory_space<hbm>>
    tpu.enqueue_dma source(%dma_start3A_49 : memref<2x4096xf32, #tpu.memory_space<hbm>>) target(%arg11 : memref<2x4096xf32, #tpu.memory_space<vmem>>) target_semaphore(%arg23 : memref<!tpu.dma_semaphore, #tpu.memory_space<semaphore_mem>>)
    %scan3A = arith.constant 0 : i32
    %scan3A_50 = arith.constant 0 : i32
    %scan3A_51 = arith.constant 16 : i32
    %scan3A_52 = arith.addi %scan3A_50, %scan3A_51 : i32
    %scan3A_53 = arith.constant 1 : i32
    scf.for %scan3A_70 = %scan3A_50 to %scan3A_52 step %scan3A_53  : i32 {
      %mul3A_71 = arith.constant 8 : i32
      %mul3A_72 = arith.muli %mul3A_71, %scan3A_70 : i32
      %add3A_73 = arith.constant 0 : i32
      %add3A_74 = arith.addi %mul3A_72, %add3A_73 : i32
      %dma_wait3A_75 = arith.constant 0 : i32
      %dma_wait3A_76 = tpu.memref_slice %arg2[%mul3A_2, %dma_wait3A_75] : memref<8192x4096xf32, #tpu.memory_space<hbm>> -> memref<2x4096xf32, #tpu.memory_space<hbm>>
      %dma_wait3A_77 = arith.constant 0 : i32
      %dma_wait3A_78 = tpu.memref_slice %arg2[%mul3A_2, %dma_wait3A_77] : memref<8192x4096xf32, #tpu.memory_space<hbm>> -> memref<2x4096xf32, #tpu.memory_space<hbm>>
      tpu.wait_dma2 semaphore(%arg16 : memref<!tpu.dma_semaphore, #tpu.memory_space<semaphore_mem>>) src(%dma_wait3A_78 : memref<2x4096xf32, #tpu.memory_space<hbm>>) dst(%arg4 : memref<2x4096xf32, #tpu.memory_space<vmem>>)
      %gt3A = arith.constant 0 : i32
      %gt3A_79 = arith.cmpi sgt, %scan3A_70, %gt3A : i32
      %convert_element_type3A = arith.extui %gt3A_79 : i1 to i32
      %cond3A = arith.constant 0 : i32
      %cond3A_80 = arith.cmpi ne, %convert_element_type3A, %cond3A : i32
      scf.if %cond3A_80 {
        %dma_wait3A_312 = arith.constant 0 : i32
        %dma_wait3A_313 = tpu.memref_slice %arg3[%mul3A_2, %dma_wait3A_312] : memref<8192x4096xf32, #tpu.memory_space<hbm>> -> memref<2x4096xf32, #tpu.memory_space<hbm>>
        %dma_wait3A_314 = arith.constant 0 : i32
        %dma_wait3A_315 = tpu.memref_slice %arg3[%mul3A_2, %dma_wait3A_314] : memref<8192x4096xf32, #tpu.memory_space<hbm>> -> memref<2x4096xf32, #tpu.memory_space<hbm>>
        tpu.wait_dma2 semaphore(%arg24 : memref<!tpu.dma_semaphore, #tpu.memory_space<semaphore_mem>>) src(%arg12 : memref<2x4096xf32, #tpu.memory_space<vmem>>) dst(%dma_wait3A_315 : memref<2x4096xf32, #tpu.memory_space<hbm>>)
      } else {
      }
      %parallel_loop3A = arith.constant 0 : i32
      %parallel_loop3A_81 = arith.constant 4096 : i32
      %parallel_loop3A_82 = arith.constant 16 : i32
      scf.for %parallel_loop3A_312 = %parallel_loop3A to %parallel_loop3A_81 step %parallel_loop3A_82  : i32 {
        %parallel_loop3A_313 = arith.constant 4080 : i32
        %parallel_loop3A_314 = arith.subi %parallel_loop3A_313, %parallel_loop3A_312 : i32
        %parallel_loop3A_315 = arith.constant 0 : i32
        %parallel_loop3A_316 = arith.index_cast %parallel_loop3A_315 : i32 to index
        %parallel_loop3A_317 = arith.index_cast %parallel_loop3A_314 : i32 to index
        %parallel_loop3A_318 = tpu.vector_load %arg4[%parallel_loop3A_316, %parallel_loop3A_317] {strides = array<i32>} : memref<2x4096xf32, #tpu.memory_space<vmem>>, vector<1x16xf32>,
        %parallel_loop3A_319 = vector.shape_cast %parallel_loop3A_318 : vector<1x16xf32> to vector<16xf32>
        %parallel_loop3A_320 = arith.constant 15 : i32
        %parallel_loop3A_321 = vector.broadcast %parallel_loop3A_320 : i32 to vector<16xi32>
        %parallel_loop3A_322 = tpu.iota {dimensions = array<i32: 0>} : vector<16xi32>
        %parallel_loop3A_323 = arith.subi %parallel_loop3A_321, %parallel_loop3A_322 : vector<16xi32>
        %parallel_loop3A_324 = tpu.dynamic_gather %parallel_loop3A_319[%parallel_loop3A_323] in [0] : vector<16xf32>, vector<16xi32> -> vector<16xf32>
        %parallel_loop3A_325 = arith.constant 0 : i32
        %parallel_loop3A_326 = arith.index_cast %parallel_loop3A_325 : i32 to index
        %parallel_loop3A_327 = arith.index_cast %parallel_loop3A_312 : i32 to index
        %parallel_loop3A_328 = tpu.vector_load %arg12[%parallel_loop3A_326, %parallel_loop3A_327] {strides = array<i32>} : memref<2x4096xf32, #tpu.memory_space<vmem>>, vector<1x16xf32>,
        %parallel_loop3A_329 = vector.shape_cast %parallel_loop3A_328 : vector<1x16xf32> to vector<16xf32>
        %parallel_loop3A_330 = vector.shape_cast %parallel_loop3A_324 : vector<16xf32> to vector<1x16xf32>
        tpu.vector_store %arg12[%parallel_loop3A_326, %parallel_loop3A_327], %parallel_loop3A_330 {strides = array<i32>} : memref<2x4096xf32, #tpu.memory_space<vmem>>, vector<1x16xf32>,
      } {sc.loop_unroll_factor = 8 : i64, sc.parallel_access}
      %parallel_loop3A_83 = arith.constant 0 : i32
      %parallel_loop3A_84 = arith.constant 4096 : i32
      %parallel_loop3A_85 = arith.constant 16 : i32
      scf.for %parallel_loop3A_312 = %parallel_loop3A_83 to %parallel_loop3A_84 step %parallel_loop3A_85  : i32 {
        %parallel_loop3A_313 = arith.constant 4080 : i32
        %parallel_loop3A_314 = arith.subi %parallel_loop3A_313, %parallel_loop3A_312 : i32
        %parallel_loop3A_315 = arith.constant 1 : i32
        %parallel_loop3A_316 = arith.index_cast %parallel_loop3A_315 : i32 to index
        %parallel_loop3A_317 = arith.index_cast %parallel_loop3A_314 : i32 to index
        %parallel_loop3A_318 = tpu.vector_load %arg4[%parallel_loop3A_316, %parallel_loop3A_317] {strides = array<i32>} : memref<2x4096xf32, #tpu.memory_space<vmem>>, vector<1x16xf32>,
        %parallel_loop3A_319 = vector.shape_cast %parallel_loop3A_318 : vector<1x16xf32> to vector<16xf32>
        %parallel_loop3A_320 = arith.constant 15 : i32
        %parallel_loop3A_321 = vector.broadcast %parallel_loop3A_320 : i32 to vector<16xi32>
        %parallel_loop3A_322 = tpu.iota {dimensions = array<i32: 0>} : vector<16xi32>
        %parallel_loop3A_323 = arith.subi %parallel_loop3A_321, %parallel_loop3A_322 : vector<16xi32>
        %parallel_loop3A_324 = tpu.dynamic_gather %parallel_loop3A_319[%parallel_loop3A_323] in [0] : vector<16xf32>, vector<16xi32> -> vector<16xf32>
        %parallel_loop3A_325 = arith.constant 1 : i32
        %parallel_loop3A_326 = arith.index_cast %parallel_loop3A_325 : i32 to index
        %parallel_loop3A_327 = arith.index_cast %parallel_loop3A_312 : i32 to index
        %parallel_loop3A_328 = tpu.vector_load %arg12[%parallel_loop3A_326, %parallel_loop3A_327] {strides = array<i32>} : memref<2x4096xf32, #tpu.memory_space<vmem>>, vector<1x16xf32>,
        %parallel_loop3A_329 = vector.shape_cast %parallel_loop3A_328 : vector<1x16xf32> to vector<16xf32>
        %parallel_loop3A_330 = vector.shape_cast %parallel_loop3A_324 : vector<16xf32> to vector<1x16xf32>
        tpu.vector_store %arg12[%parallel_loop3A_326, %parallel_loop3A_327], %parallel_loop3A_330 {strides = array<i32>} : memref<2x4096xf32, #tpu.memory_space<vmem>>, vector<1x16xf32>,
      } {sc.loop_unroll_factor = 8 : i64, sc.parallel_access}
      %mul3A_86 = arith.constant 2 : i32
      %mul3A_87 = arith.muli %add3A_74, %mul3A_86 : i32
      %add3A_88 = arith.addi %mul3A_2, %mul3A_87 : i32
      %dma_start3A_89 = arith.constant 0 : i32
      %dma_start3A_90 = tpu.memref_slice %arg3[%add3A_88, %dma_start3A_89] : memref<8192x4096xf32, #tpu.memory_space<hbm>> -> memref<2x4096xf32, #tpu.memory_space<hbm>>
      %dma_start3A_91 = arith.constant 0 : i32
      %dma_start3A_92 = tpu.memref_slice %arg3[%add3A_88, %dma_start3A_91] : memref<8192x4096xf32, #tpu.memory_space<hbm>> -> memref<2x4096xf32, #tpu.memory_space<hbm>>
      tpu.enqueue_dma source(%arg12 : memref<2x4096xf32, #tpu.memory_space<vmem>>) target(%dma_start3A_92 : memref<2x4096xf32, #tpu.memory_space<hbm>>) target_semaphore(%arg24 : memref<!tpu.dma_semaphore, #tpu.memory_space<semaphore_mem>>)
      %add3A_93 = arith.constant 8 : i32
      %add3A_94 = arith.addi %add3A_74, %add3A_93 : i32
      %lt3A = arith.constant 128 : i32
      %lt3A_95 = arith.cmpi slt, %add3A_94, %lt3A : i32
      %convert_element_type3A_96 = arith.extui %lt3A_95 : i1 to i32
      %cond3A_97 = arith.constant 0 : i32
      %cond3A_98 = arith.cmpi ne, %convert_element_type3A_96, %cond3A_97 : i32
      scf.if %cond3A_98 {
        %add3A_312 = arith.constant 8 : i32
        %add3A_313 = arith.addi %add3A_74, %add3A_312 : i32
        %mul3A_314 = arith.constant 2 : i32
        %mul3A_315 = arith.muli %add3A_313, %mul3A_314 : i32
        %add3A_316 = arith.addi %mul3A_2, %mul3A_315 : i32
        %dma_start3A_317 = arith.constant 0 : i32
        %dma_start3A_318 = tpu.memref_slice %arg2[%add3A_316, %dma_start3A_317] : memref<8192x4096xf32, #tpu.memory_space<hbm>> -> memref<2x4096xf32, #tpu.memory_space<hbm>>
        %dma_start3A_319 = arith.constant 0 : i32
        %dma_start3A_320 = tpu.memref_slice %arg2[%add3A_316, %dma_start3A_319] : memref<8192x4096xf32, #tpu.memory_space<hbm>> -> memref<2x4096xf32, #tpu.memory_space<hbm>>
        tpu.enqueue_dma source(%dma_start3A_320 : memref<2x4096xf32, #tpu.memory_space<hbm>>) target(%arg4 : memref<2x4096xf32, #tpu.memory_space<vmem>>) target_semaphore(%arg16 : memref<!tpu.dma_semaphore, #tpu.memory_space<semaphore_mem>>)
      } else {
      }
      %add3A_99 = arith.constant 1 : i32
      %add3A_100 = arith.addi %mul3A_72, %add3A_99 : i32
      %dma_wait3A_101 = arith.constant 0 : i32
      %dma_wait3A_102 = tpu.memref_slice %arg2[%mul3A_2, %dma_wait3A_101] : memref<8192x4096xf32, #tpu.memory_space<hbm>> -> memref<2x4096xf32, #tpu.memory_space<hbm>>
      %dma_wait3A_103 = arith.constant 0 : i32
      %dma_wait3A_104 = tpu.memref_slice %arg2[%mul3A_2, %dma_wait3A_103] : memref<8192x4096xf32, #tpu.memory_space<hbm>> -> memref<2x4096xf32, #tpu.memory_space<hbm>>
      tpu.wait_dma2 semaphore(%arg17 : memref<!tpu.dma_semaphore, #tpu.memory_space<semaphore_mem>>) src(%dma_wait3A_104 : memref<2x4096xf32, #tpu.memory_space<hbm>>) dst(%arg5 : memref<2x4096xf32, #tpu.memory_space<vmem>>)
      %gt3A_105 = arith.constant 0 : i32
      %gt3A_106 = arith.cmpi sgt, %scan3A_70, %gt3A_105 : i32
      %convert_element_type3A_107 = arith.extui %gt3A_106 : i1 to i32
      %cond3A_108 = arith.constant 0 : i32
      %cond3A_109 = arith.cmpi ne, %convert_element_type3A_107, %cond3A_108 : i32
      scf.if %cond3A_109 {
        %dma_wait3A_312 = arith.constant 0 : i32
        %dma_wait3A_313 = tpu.memref_slice %arg3[%mul3A_2, %dma_wait3A_312] : memref<8192x4096xf32, #tpu.memory_space<hbm>> -> memref<2x4096xf32, #tpu.memory_space<hbm>>
        %dma_wait3A_314 = arith.constant 0 : i32
        %dma_wait3A_315 = tpu.memref_slice %arg3[%mul3A_2, %dma_wait3A_314] : memref<8192x4096xf32, #tpu.memory_space<hbm>> -> memref<2x4096xf32, #tpu.memory_space<hbm>>
        tpu.wait_dma2 semaphore(%arg25 : memref<!tpu.dma_semaphore, #tpu.memory_space<semaphore_mem>>) src(%arg13 : memref<2x4096xf32, #tpu.memory_space<vmem>>) dst(%dma_wait3A_315 : memref<2x4096xf32, #tpu.memory_space<hbm>>)
      } else {
      }
      %parallel_loop3A_110 = arith.constant 0 : i32
      %parallel_loop3A_111 = arith.constant 4096 : i32
      %parallel_loop3A_112 = arith.constant 16 : i32
      scf.for %parallel_loop3A_312 = %parallel_loop3A_110 to %parallel_loop3A_111 step %parallel_loop3A_112  : i32 {
        %parallel_loop3A_313 = arith.constant 4080 : i32
        %parallel_loop3A_314 = arith.subi %parallel_loop3A_313, %parallel_loop3A_312 : i32
        %parallel_loop3A_315 = arith.constant 0 : i32
        %parallel_loop3A_316 = arith.index_cast %parallel_loop3A_315 : i32 to index
        %parallel_loop3A_317 = arith.index_cast %parallel_loop3A_314 : i32 to index
        %parallel_loop3A_318 = tpu.vector_load %arg5[%parallel_loop3A_316, %parallel_loop3A_317] {strides = array<i32>} : memref<2x4096xf32, #tpu.memory_space<vmem>>, vector<1x16xf32>,
        %parallel_loop3A_319 = vector.shape_cast %parallel_loop3A_318 : vector<1x16xf32> to vector<16xf32>
        %parallel_loop3A_320 = arith.constant 15 : i32
        %parallel_loop3A_321 = vector.broadcast %parallel_loop3A_320 : i32 to vector<16xi32>
        %parallel_loop3A_322 = tpu.iota {dimensions = array<i32: 0>} : vector<16xi32>
        %parallel_loop3A_323 = arith.subi %parallel_loop3A_321, %parallel_loop3A_322 : vector<16xi32>
        %parallel_loop3A_324 = tpu.dynamic_gather %parallel_loop3A_319[%parallel_loop3A_323] in [0] : vector<16xf32>, vector<16xi32> -> vector<16xf32>
        %parallel_loop3A_325 = arith.constant 0 : i32
        %parallel_loop3A_326 = arith.index_cast %parallel_loop3A_325 : i32 to index
        %parallel_loop3A_327 = arith.index_cast %parallel_loop3A_312 : i32 to index
        %parallel_loop3A_328 = tpu.vector_load %arg13[%parallel_loop3A_326, %parallel_loop3A_327] {strides = array<i32>} : memref<2x4096xf32, #tpu.memory_space<vmem>>, vector<1x16xf32>,
        %parallel_loop3A_329 = vector.shape_cast %parallel_loop3A_328 : vector<1x16xf32> to vector<16xf32>
        %parallel_loop3A_330 = vector.shape_cast %parallel_loop3A_324 : vector<16xf32> to vector<1x16xf32>
        tpu.vector_store %arg13[%parallel_loop3A_326, %parallel_loop3A_327], %parallel_loop3A_330 {strides = array<i32>} : memref<2x4096xf32, #tpu.memory_space<vmem>>, vector<1x16xf32>,
      } {sc.loop_unroll_factor = 8 : i64, sc.parallel_access}
      %parallel_loop3A_113 = arith.constant 0 : i32
      %parallel_loop3A_114 = arith.constant 4096 : i32
      %parallel_loop3A_115 = arith.constant 16 : i32
      scf.for %parallel_loop3A_312 = %parallel_loop3A_113 to %parallel_loop3A_114 step %parallel_loop3A_115  : i32 {
        %parallel_loop3A_313 = arith.constant 4080 : i32
        %parallel_loop3A_314 = arith.subi %parallel_loop3A_313, %parallel_loop3A_312 : i32
        %parallel_loop3A_315 = arith.constant 1 : i32
        %parallel_loop3A_316 = arith.index_cast %parallel_loop3A_315 : i32 to index
        %parallel_loop3A_317 = arith.index_cast %parallel_loop3A_314 : i32 to index
        %parallel_loop3A_318 = tpu.vector_load %arg5[%parallel_loop3A_316, %parallel_loop3A_317] {strides = array<i32>} : memref<2x4096xf32, #tpu.memory_space<vmem>>, vector<1x16xf32>,
        %parallel_loop3A_319 = vector.shape_cast %parallel_loop3A_318 : vector<1x16xf32> to vector<16xf32>
        %parallel_loop3A_320 = arith.constant 15 : i32
        %parallel_loop3A_321 = vector.broadcast %parallel_loop3A_320 : i32 to vector<16xi32>
        %parallel_loop3A_322 = tpu.iota {dimensions = array<i32: 0>} : vector<16xi32>
        %parallel_loop3A_323 = arith.subi %parallel_loop3A_321, %parallel_loop3A_322 : vector<16xi32>
        %parallel_loop3A_324 = tpu.dynamic_gather %parallel_loop3A_319[%parallel_loop3A_323] in [0] : vector<16xf32>, vector<16xi32> -> vector<16xf32>
        %parallel_loop3A_325 = arith.constant 1 : i32
        %parallel_loop3A_326 = arith.index_cast %parallel_loop3A_325 : i32 to index
        %parallel_loop3A_327 = arith.index_cast %parallel_loop3A_312 : i32 to index
        %parallel_loop3A_328 = tpu.vector_load %arg13[%parallel_loop3A_326, %parallel_loop3A_327] {strides = array<i32>} : memref<2x4096xf32, #tpu.memory_space<vmem>>, vector<1x16xf32>,
        %parallel_loop3A_329 = vector.shape_cast %parallel_loop3A_328 : vector<1x16xf32> to vector<16xf32>
        %parallel_loop3A_330 = vector.shape_cast %parallel_loop3A_324 : vector<16xf32> to vector<1x16xf32>
        tpu.vector_store %arg13[%parallel_loop3A_326, %parallel_loop3A_327], %parallel_loop3A_330 {strides = array<i32>} : memref<2x4096xf32, #tpu.memory_space<vmem>>, vector<1x16xf32>,
      } {sc.loop_unroll_factor = 8 : i64, sc.parallel_access}
      %mul3A_116 = arith.constant 2 : i32
      %mul3A_117 = arith.muli %add3A_100, %mul3A_116 : i32
      %add3A_118 = arith.addi %mul3A_2, %mul3A_117 : i32
      %dma_start3A_119 = arith.constant 0 : i32
      %dma_start3A_120 = tpu.memref_slice %arg3[%add3A_118, %dma_start3A_119] : memref<8192x4096xf32, #tpu.memory_space<hbm>> -> memref<2x4096xf32, #tpu.memory_space<hbm>>
      %dma_start3A_121 = arith.constant 0 : i32
      %dma_start3A_122 = tpu.memref_slice %arg3[%add3A_118, %dma_start3A_121] : memref<8192x4096xf32, #tpu.memory_space<hbm>> -> memref<2x4096xf32, #tpu.memory_space<hbm>>
      tpu.enqueue_dma source(%arg13 : memref<2x4096xf32, #tpu.memory_space<vmem>>) target(%dma_start3A_122 : memref<2x4096xf32, #tpu.memory_space<hbm>>) target_semaphore(%arg25 : memref<!tpu.dma_semaphore, #tpu.memory_space<semaphore_mem>>)
      %add3A_123 = arith.constant 8 : i32
      %add3A_124 = arith.addi %add3A_100, %add3A_123 : i32
      %lt3A_125 = arith.constant 128 : i32
      %lt3A_126 = arith.cmpi slt, %add3A_124, %lt3A_125 : i32
      %convert_element_type3A_127 = arith.extui %lt3A_126 : i1 to i32
      %cond3A_128 = arith.constant 0 : i32
      %cond3A_129 = arith.cmpi ne, %convert_element_type3A_127, %cond3A_128 : i32
      scf.if %cond3A_129 {
        %add3A_312 = arith.constant 8 : i32
        %add3A_313 = arith.addi %add3A_100, %add3A_312 : i32
        %mul3A_314 = arith.constant 2 : i32
        %mul3A_315 = arith.muli %add3A_313, %mul3A_314 : i32
        %add3A_316 = arith.addi %mul3A_2, %mul3A_315 : i32
        %dma_start3A_317 = arith.constant 0 : i32
        %dma_start3A_318 = tpu.memref_slice %arg2[%add3A_316, %dma_start3A_317] : memref<8192x4096xf32, #tpu.memory_space<hbm>> -> memref<2x4096xf32, #tpu.memory_space<hbm>>
        %dma_start3A_319 = arith.constant 0 : i32
        %dma_start3A_320 = tpu.memref_slice %arg2[%add3A_316, %dma_start3A_319] : memref<8192x4096xf32, #tpu.memory_space<hbm>> -> memref<2x4096xf32, #tpu.memory_space<hbm>>
        tpu.enqueue_dma source(%dma_start3A_320 : memref<2x4096xf32, #tpu.memory_space<hbm>>) target(%arg5 : memref<2x4096xf32, #tpu.memory_space<vmem>>) target_semaphore(%arg17 : memref<!tpu.dma_semaphore, #tpu.memory_space<semaphore_mem>>)
      } else {
      }
      %add3A_130 = arith.constant 2 : i32
      %add3A_131 = arith.addi %mul3A_72, %add3A_130 : i32
      %dma_wait3A_132 = arith.constant 0 : i32
      %dma_wait3A_133 = tpu.memref_slice %arg2[%mul3A_2, %dma_wait3A_132] : memref<8192x4096xf32, #tpu.memory_space<hbm>> -> memref<2x4096xf32, #tpu.memory_space<hbm>>
      %dma_wait3A_134 = arith.constant 0 : i32
      %dma_wait3A_135 = tpu.memref_slice %arg2[%mul3A_2, %dma_wait3A_134] : memref<8192x4096xf32, #tpu.memory_space<hbm>> -> memref<2x4096xf32, #tpu.memory_space<hbm>>
      tpu.wait_dma2 semaphore(%arg18 : memref<!tpu.dma_semaphore, #tpu.memory_space<semaphore_mem>>) src(%dma_wait3A_135 : memref<2x4096xf32, #tpu.memory_space<hbm>>) dst(%arg6 : memref<2x4096xf32, #tpu.memory_space<vmem>>)
      %gt3A_136 = arith.constant 0 : i32
      %gt3A_137 = arith.cmpi sgt, %scan3A_70, %gt3A_136 : i32
      %convert_element_type3A_138 = arith.extui %gt3A_137 : i1 to i32
      %cond3A_139 = arith.constant 0 : i32
      %cond3A_140 = arith.cmpi ne, %convert_element_type3A_138, %cond3A_139 : i32
      scf.if %cond3A_140 {
        %dma_wait3A_312 = arith.constant 0 : i32
        %dma_wait3A_313 = tpu.memref_slice %arg3[%mul3A_2, %dma_wait3A_312] : memref<8192x4096xf32, #tpu.memory_space<hbm>> -> memref<2x4096xf32, #tpu.memory_space<hbm>>
        %dma_wait3A_314 = arith.constant 0 : i32
        %dma_wait3A_315 = tpu.memref_slice %arg3[%mul3A_2, %dma_wait3A_314] : memref<8192x4096xf32, #tpu.memory_space<hbm>> -> memref<2x4096xf32, #tpu.memory_space<hbm>>
        tpu.wait_dma2 semaphore(%arg26 : memref<!tpu.dma_semaphore, #tpu.memory_space<semaphore_mem>>) src(%arg14 : memref<2x4096xf32, #tpu.memory_space<vmem>>) dst(%dma_wait3A_315 : memref<2x4096xf32, #tpu.memory_space<hbm>>)
      } else {
      }
      %parallel_loop3A_141 = arith.constant 0 : i32
      %parallel_loop3A_142 = arith.constant 4096 : i32
      %parallel_loop3A_143 = arith.constant 16 : i32
      scf.for %parallel_loop3A_312 = %parallel_loop3A_141 to %parallel_loop3A_142 step %parallel_loop3A_143  : i32 {
        %parallel_loop3A_313 = arith.constant 4080 : i32
        %parallel_loop3A_314 = arith.subi %parallel_loop3A_313, %parallel_loop3A_312 : i32
        %parallel_loop3A_315 = arith.constant 0 : i32
        %parallel_loop3A_316 = arith.index_cast %parallel_loop3A_315 : i32 to index
        %parallel_loop3A_317 = arith.index_cast %parallel_loop3A_314 : i32 to index
        %parallel_loop3A_318 = tpu.vector_load %arg6[%parallel_loop3A_316, %parallel_loop3A_317] {strides = array<i32>} : memref<2x4096xf32, #tpu.memory_space<vmem>>, vector<1x16xf32>,
        %parallel_loop3A_319 = vector.shape_cast %parallel_loop3A_318 : vector<1x16xf32> to vector<16xf32>
        %parallel_loop3A_320 = arith.constant 15 : i32
        %parallel_loop3A_321 = vector.broadcast %parallel_loop3A_320 : i32 to vector<16xi32>
        %parallel_loop3A_322 = tpu.iota {dimensions = array<i32: 0>} : vector<16xi32>
        %parallel_loop3A_323 = arith.subi %parallel_loop3A_321, %parallel_loop3A_322 : vector<16xi32>
        %parallel_loop3A_324 = tpu.dynamic_gather %parallel_loop3A_319[%parallel_loop3A_323] in [0] : vector<16xf32>, vector<16xi32> -> vector<16xf32>
        %parallel_loop3A_325 = arith.constant 0 : i32
        %parallel_loop3A_326 = arith.index_cast %parallel_loop3A_325 : i32 to index
        %parallel_loop3A_327 = arith.index_cast %parallel_loop3A_312 : i32 to index
        %parallel_loop3A_328 = tpu.vector_load %arg14[%parallel_loop3A_326, %parallel_loop3A_327] {strides = array<i32>} : memref<2x4096xf32, #tpu.memory_space<vmem>>, vector<1x16xf32>,
        %parallel_loop3A_329 = vector.shape_cast %parallel_loop3A_328 : vector<1x16xf32> to vector<16xf32>
        %parallel_loop3A_330 = vector.shape_cast %parallel_loop3A_324 : vector<16xf32> to vector<1x16xf32>
        tpu.vector_store %arg14[%parallel_loop3A_326, %parallel_loop3A_327], %parallel_loop3A_330 {strides = array<i32>} : memref<2x4096xf32, #tpu.memory_space<vmem>>, vector<1x16xf32>,
      } {sc.loop_unroll_factor = 8 : i64, sc.parallel_access}
      %parallel_loop3A_144 = arith.constant 0 : i32
      %parallel_loop3A_145 = arith.constant 4096 : i32
      %parallel_loop3A_146 = arith.constant 16 : i32
      scf.for %parallel_loop3A_312 = %parallel_loop3A_144 to %parallel_loop3A_145 step %parallel_loop3A_146  : i32 {
        %parallel_loop3A_313 = arith.constant 4080 : i32
        %parallel_loop3A_314 = arith.subi %parallel_loop3A_313, %parallel_loop3A_312 : i32
        %parallel_loop3A_315 = arith.constant 1 : i32
        %parallel_loop3A_316 = arith.index_cast %parallel_loop3A_315 : i32 to index
        %parallel_loop3A_317 = arith.index_cast %parallel_loop3A_314 : i32 to index
        %parallel_loop3A_318 = tpu.vector_load %arg6[%parallel_loop3A_316, %parallel_loop3A_317] {strides = array<i32>} : memref<2x4096xf32, #tpu.memory_space<vmem>>, vector<1x16xf32>,
        %parallel_loop3A_319 = vector.shape_cast %parallel_loop3A_318 : vector<1x16xf32> to vector<16xf32>
        %parallel_loop3A_320 = arith.constant 15 : i32
        %parallel_loop3A_321 = vector.broadcast %parallel_loop3A_320 : i32 to vector<16xi32>
        %parallel_loop3A_322 = tpu.iota {dimensions = array<i32: 0>} : vector<16xi32>
        %parallel_loop3A_323 = arith.subi %parallel_loop3A_321, %parallel_loop3A_322 : vector<16xi32>
        %parallel_loop3A_324 = tpu.dynamic_gather %parallel_loop3A_319[%parallel_loop3A_323] in [0] : vector<16xf32>, vector<16xi32> -> vector<16xf32>
        %parallel_loop3A_325 = arith.constant 1 : i32
        %parallel_loop3A_326 = arith.index_cast %parallel_loop3A_325 : i32 to index
        %parallel_loop3A_327 = arith.index_cast %parallel_loop3A_312 : i32 to index
        %parallel_loop3A_328 = tpu.vector_load %arg14[%parallel_loop3A_326, %parallel_loop3A_327] {strides = array<i32>} : memref<2x4096xf32, #tpu.memory_space<vmem>>, vector<1x16xf32>,
        %parallel_loop3A_329 = vector.shape_cast %parallel_loop3A_328 : vector<1x16xf32> to vector<16xf32>
        %parallel_loop3A_330 = vector.shape_cast %parallel_loop3A_324 : vector<16xf32> to vector<1x16xf32>
        tpu.vector_store %arg14[%parallel_loop3A_326, %parallel_loop3A_327], %parallel_loop3A_330 {strides = array<i32>} : memref<2x4096xf32, #tpu.memory_space<vmem>>, vector<1x16xf32>,
      } {sc.loop_unroll_factor = 8 : i64, sc.parallel_access}
      %mul3A_147 = arith.constant 2 : i32
      %mul3A_148 = arith.muli %add3A_131, %mul3A_147 : i32
      %add3A_149 = arith.addi %mul3A_2, %mul3A_148 : i32
      %dma_start3A_150 = arith.constant 0 : i32
      %dma_start3A_151 = tpu.memref_slice %arg3[%add3A_149, %dma_start3A_150] : memref<8192x4096xf32, #tpu.memory_space<hbm>> -> memref<2x4096xf32, #tpu.memory_space<hbm>>
      %dma_start3A_152 = arith.constant 0 : i32
      %dma_start3A_153 = tpu.memref_slice %arg3[%add3A_149, %dma_start3A_152] : memref<8192x4096xf32, #tpu.memory_space<hbm>> -> memref<2x4096xf32, #tpu.memory_space<hbm>>
      tpu.enqueue_dma source(%arg14 : memref<2x4096xf32, #tpu.memory_space<vmem>>) target(%dma_start3A_153 : memref<2x4096xf32, #tpu.memory_space<hbm>>) target_semaphore(%arg26 : memref<!tpu.dma_semaphore, #tpu.memory_space<semaphore_mem>>)
      %add3A_154 = arith.constant 8 : i32
      %add3A_155 = arith.addi %add3A_131, %add3A_154 : i32
      %lt3A_156 = arith.constant 128 : i32
      %lt3A_157 = arith.cmpi slt, %add3A_155, %lt3A_156 : i32
      %convert_element_type3A_158 = arith.extui %lt3A_157 : i1 to i32
      %cond3A_159 = arith.constant 0 : i32
      %cond3A_160 = arith.cmpi ne, %convert_element_type3A_158, %cond3A_159 : i32
      scf.if %cond3A_160 {
        %add3A_312 = arith.constant 8 : i32
        %add3A_313 = arith.addi %add3A_131, %add3A_312 : i32
        %mul3A_314 = arith.constant 2 : i32
        %mul3A_315 = arith.muli %add3A_313, %mul3A_314 : i32
        %add3A_316 = arith.addi %mul3A_2, %mul3A_315 : i32
        %dma_start3A_317 = arith.constant 0 : i32
        %dma_start3A_318 = tpu.memref_slice %arg2[%add3A_316, %dma_start3A_317] : memref<8192x4096xf32, #tpu.memory_space<hbm>> -> memref<2x4096xf32, #tpu.memory_space<hbm>>
        %dma_start3A_319 = arith.constant 0 : i32
        %dma_start3A_320 = tpu.memref_slice %arg2[%add3A_316, %dma_start3A_319] : memref<8192x4096xf32, #tpu.memory_space<hbm>> -> memref<2x4096xf32, #tpu.memory_space<hbm>>
        tpu.enqueue_dma source(%dma_start3A_320 : memref<2x4096xf32, #tpu.memory_space<hbm>>) target(%arg6 : memref<2x4096xf32, #tpu.memory_space<vmem>>) target_semaphore(%arg18 : memref<!tpu.dma_semaphore, #tpu.memory_space<semaphore_mem>>)
      } else {
      }
      %add3A_161 = arith.constant 3 : i32
      %add3A_162 = arith.addi %mul3A_72, %add3A_161 : i32
      %dma_wait3A_163 = arith.constant 0 : i32
      %dma_wait3A_164 = tpu.memref_slice %arg2[%mul3A_2, %dma_wait3A_163] : memref<8192x4096xf32, #tpu.memory_space<hbm>> -> memref<2x4096xf32, #tpu.memory_space<hbm>>
      %dma_wait3A_165 = arith.constant 0 : i32
      %dma_wait3A_166 = tpu.memref_slice %arg2[%mul3A_2, %dma_wait3A_165] : memref<8192x4096xf32, #tpu.memory_space<hbm>> -> memref<2x4096xf32, #tpu.memory_space<hbm>>
      tpu.wait_dma2 semaphore(%arg19 : memref<!tpu.dma_semaphore, #tpu.memory_space<semaphore_mem>>) src(%dma_wait3A_166 : memref<2x4096xf32, #tpu.memory_space<hbm>>) dst(%arg7 : memref<2x4096xf32, #tpu.memory_space<vmem>>)
      %gt3A_167 = arith.constant 0 : i32
      %gt3A_168 = arith.cmpi sgt, %scan3A_70, %gt3A_167 : i32
      %convert_element_type3A_169 = arith.extui %gt3A_168 : i1 to i32
      %cond3A_170 = arith.constant 0 : i32
      %cond3A_171 = arith.cmpi ne, %convert_element_type3A_169, %cond3A_170 : i32
      scf.if %cond3A_171 {
        %dma_wait3A_312 = arith.constant 0 : i32
        %dma_wait3A_313 = tpu.memref_slice %arg3[%mul3A_2, %dma_wait3A_312] : memref<8192x4096xf32, #tpu.memory_space<hbm>> -> memref<2x4096xf32, #tpu.memory_space<hbm>>
        %dma_wait3A_314 = arith.constant 0 : i32
        %dma_wait3A_315 = tpu.memref_slice %arg3[%mul3A_2, %dma_wait3A_314] : memref<8192x4096xf32, #tpu.memory_space<hbm>> -> memref<2x4096xf32, #tpu.memory_space<hbm>>
        tpu.wait_dma2 semaphore(%arg27 : memref<!tpu.dma_semaphore, #tpu.memory_space<semaphore_mem>>) src(%arg15 : memref<2x4096xf32, #tpu.memory_space<vmem>>) dst(%dma_wait3A_315 : memref<2x4096xf32, #tpu.memory_space<hbm>>)
      } else {
      }
      %parallel_loop3A_172 = arith.constant 0 : i32
      %parallel_loop3A_173 = arith.constant 4096 : i32
      %parallel_loop3A_174 = arith.constant 16 : i32
      scf.for %parallel_loop3A_312 = %parallel_loop3A_172 to %parallel_loop3A_173 step %parallel_loop3A_174  : i32 {
        %parallel_loop3A_313 = arith.constant 4080 : i32
        %parallel_loop3A_314 = arith.subi %parallel_loop3A_313, %parallel_loop3A_312 : i32
        %parallel_loop3A_315 = arith.constant 0 : i32
        %parallel_loop3A_316 = arith.index_cast %parallel_loop3A_315 : i32 to index
        %parallel_loop3A_317 = arith.index_cast %parallel_loop3A_314 : i32 to index
        %parallel_loop3A_318 = tpu.vector_load %arg7[%parallel_loop3A_316, %parallel_loop3A_317] {strides = array<i32>} : memref<2x4096xf32, #tpu.memory_space<vmem>>, vector<1x16xf32>,
        %parallel_loop3A_319 = vector.shape_cast %parallel_loop3A_318 : vector<1x16xf32> to vector<16xf32>
        %parallel_loop3A_320 = arith.constant 15 : i32
        %parallel_loop3A_321 = vector.broadcast %parallel_loop3A_320 : i32 to vector<16xi32>
        %parallel_loop3A_322 = tpu.iota {dimensions = array<i32: 0>} : vector<16xi32>
        %parallel_loop3A_323 = arith.subi %parallel_loop3A_321, %parallel_loop3A_322 : vector<16xi32>
        %parallel_loop3A_324 = tpu.dynamic_gather %parallel_loop3A_319[%parallel_loop3A_323] in [0] : vector<16xf32>, vector<16xi32> -> vector<16xf32>
        %parallel_loop3A_325 = arith.constant 0 : i32
        %parallel_loop3A_326 = arith.index_cast %parallel_loop3A_325 : i32 to index
        %parallel_loop3A_327 = arith.index_cast %parallel_loop3A_312 : i32 to index
        %parallel_loop3A_328 = tpu.vector_load %arg15[%parallel_loop3A_326, %parallel_loop3A_327] {strides = array<i32>} : memref<2x4096xf32, #tpu.memory_space<vmem>>, vector<1x16xf32>,
        %parallel_loop3A_329 = vector.shape_cast %parallel_loop3A_328 : vector<1x16xf32> to vector<16xf32>
        %parallel_loop3A_330 = vector.shape_cast %parallel_loop3A_324 : vector<16xf32> to vector<1x16xf32>
        tpu.vector_store %arg15[%parallel_loop3A_326, %parallel_loop3A_327], %parallel_loop3A_330 {strides = array<i32>} : memref<2x4096xf32, #tpu.memory_space<vmem>>, vector<1x16xf32>,
      } {sc.loop_unroll_factor = 8 : i64, sc.parallel_access}
      %parallel_loop3A_175 = arith.constant 0 : i32
      %parallel_loop3A_176 = arith.constant 4096 : i32
      %parallel_loop3A_177 = arith.constant 16 : i32
      scf.for %parallel_loop3A_312 = %parallel_loop3A_175 to %parallel_loop3A_176 step %parallel_loop3A_177  : i32 {
        %parallel_loop3A_313 = arith.constant 4080 : i32
        %parallel_loop3A_314 = arith.subi %parallel_loop3A_313, %parallel_loop3A_312 : i32
        %parallel_loop3A_315 = arith.constant 1 : i32
        %parallel_loop3A_316 = arith.index_cast %parallel_loop3A_315 : i32 to index
        %parallel_loop3A_317 = arith.index_cast %parallel_loop3A_314 : i32 to index
        %parallel_loop3A_318 = tpu.vector_load %arg7[%parallel_loop3A_316, %parallel_loop3A_317] {strides = array<i32>} : memref<2x4096xf32, #tpu.memory_space<vmem>>, vector<1x16xf32>,
        %parallel_loop3A_319 = vector.shape_cast %parallel_loop3A_318 : vector<1x16xf32> to vector<16xf32>
        %parallel_loop3A_320 = arith.constant 15 : i32
        %parallel_loop3A_321 = vector.broadcast %parallel_loop3A_320 : i32 to vector<16xi32>
        %parallel_loop3A_322 = tpu.iota {dimensions = array<i32: 0>} : vector<16xi32>
        %parallel_loop3A_323 = arith.subi %parallel_loop3A_321, %parallel_loop3A_322 : vector<16xi32>
        %parallel_loop3A_324 = tpu.dynamic_gather %parallel_loop3A_319[%parallel_loop3A_323] in [0] : vector<16xf32>, vector<16xi32> -> vector<16xf32>
        %parallel_loop3A_325 = arith.constant 1 : i32
        %parallel_loop3A_326 = arith.index_cast %parallel_loop3A_325 : i32 to index
        %parallel_loop3A_327 = arith.index_cast %parallel_loop3A_312 : i32 to index
        %parallel_loop3A_328 = tpu.vector_load %arg15[%parallel_loop3A_326, %parallel_loop3A_327] {strides = array<i32>} : memref<2x4096xf32, #tpu.memory_space<vmem>>, vector<1x16xf32>,
        %parallel_loop3A_329 = vector.shape_cast %parallel_loop3A_328 : vector<1x16xf32> to vector<16xf32>
        %parallel_loop3A_330 = vector.shape_cast %parallel_loop3A_324 : vector<16xf32> to vector<1x16xf32>
        tpu.vector_store %arg15[%parallel_loop3A_326, %parallel_loop3A_327], %parallel_loop3A_330 {strides = array<i32>} : memref<2x4096xf32, #tpu.memory_space<vmem>>, vector<1x16xf32>,
      } {sc.loop_unroll_factor = 8 : i64, sc.parallel_access}
      %mul3A_178 = arith.constant 2 : i32
      %mul3A_179 = arith.muli %add3A_162, %mul3A_178 : i32
      %add3A_180 = arith.addi %mul3A_2, %mul3A_179 : i32
      %dma_start3A_181 = arith.constant 0 : i32
      %dma_start3A_182 = tpu.memref_slice %arg3[%add3A_180, %dma_start3A_181] : memref<8192x4096xf32, #tpu.memory_space<hbm>> -> memref<2x4096xf32, #tpu.memory_space<hbm>>
      %dma_start3A_183 = arith.constant 0 : i32
      %dma_start3A_184 = tpu.memref_slice %arg3[%add3A_180, %dma_start3A_183] : memref<8192x4096xf32, #tpu.memory_space<hbm>> -> memref<2x4096xf32, #tpu.memory_space<hbm>>
      tpu.enqueue_dma source(%arg15 : memref<2x4096xf32, #tpu.memory_space<vmem>>) target(%dma_start3A_184 : memref<2x4096xf32, #tpu.memory_space<hbm>>) target_semaphore(%arg27 : memref<!tpu.dma_semaphore, #tpu.memory_space<semaphore_mem>>)
      %add3A_185 = arith.constant 8 : i32
      %add3A_186 = arith.addi %add3A_162, %add3A_185 : i32
      %lt3A_187 = arith.constant 128 : i32
      %lt3A_188 = arith.cmpi slt, %add3A_186, %lt3A_187 : i32
      %convert_element_type3A_189 = arith.extui %lt3A_188 : i1 to i32
      %cond3A_190 = arith.constant 0 : i32
      %cond3A_191 = arith.cmpi ne, %convert_element_type3A_189, %cond3A_190 : i32
      scf.if %cond3A_191 {
        %add3A_312 = arith.constant 8 : i32
        %add3A_313 = arith.addi %add3A_162, %add3A_312 : i32
        %mul3A_314 = arith.constant 2 : i32
        %mul3A_315 = arith.muli %add3A_313, %mul3A_314 : i32
        %add3A_316 = arith.addi %mul3A_2, %mul3A_315 : i32
        %dma_start3A_317 = arith.constant 0 : i32
        %dma_start3A_318 = tpu.memref_slice %arg2[%add3A_316, %dma_start3A_317] : memref<8192x4096xf32, #tpu.memory_space<hbm>> -> memref<2x4096xf32, #tpu.memory_space<hbm>>
        %dma_start3A_319 = arith.constant 0 : i32
        %dma_start3A_320 = tpu.memref_slice %arg2[%add3A_316, %dma_start3A_319] : memref<8192x4096xf32, #tpu.memory_space<hbm>> -> memref<2x4096xf32, #tpu.memory_space<hbm>>
        tpu.enqueue_dma source(%dma_start3A_320 : memref<2x4096xf32, #tpu.memory_space<hbm>>) target(%arg7 : memref<2x4096xf32, #tpu.memory_space<vmem>>) target_semaphore(%arg19 : memref<!tpu.dma_semaphore, #tpu.memory_space<semaphore_mem>>)
      } else {
      }
      %add3A_192 = arith.constant 4 : i32
      %add3A_193 = arith.addi %mul3A_72, %add3A_192 : i32
      %dma_wait3A_194 = arith.constant 0 : i32
      %dma_wait3A_195 = tpu.memref_slice %arg2[%mul3A_2, %dma_wait3A_194] : memref<8192x4096xf32, #tpu.memory_space<hbm>> -> memref<2x4096xf32, #tpu.memory_space<hbm>>
      %dma_wait3A_196 = arith.constant 0 : i32
      %dma_wait3A_197 = tpu.memref_slice %arg2[%mul3A_2, %dma_wait3A_196] : memref<8192x4096xf32, #tpu.memory_space<hbm>> -> memref<2x4096xf32, #tpu.memory_space<hbm>>
      tpu.wait_dma2 semaphore(%arg20 : memref<!tpu.dma_semaphore, #tpu.memory_space<semaphore_mem>>) src(%dma_wait3A_197 : memref<2x4096xf32, #tpu.memory_space<hbm>>) dst(%arg8 : memref<2x4096xf32, #tpu.memory_space<vmem>>)
      %dma_wait3A_198 = arith.constant 0 : i32
      %dma_wait3A_199 = tpu.memref_slice %arg3[%mul3A_2, %dma_wait3A_198] : memref<8192x4096xf32, #tpu.memory_space<hbm>> -> memref<2x4096xf32, #tpu.memory_space<hbm>>
      %dma_wait3A_200 = arith.constant 0 : i32
      %dma_wait3A_201 = tpu.memref_slice %arg3[%mul3A_2, %dma_wait3A_200] : memref<8192x4096xf32, #tpu.memory_space<hbm>> -> memref<2x4096xf32, #tpu.memory_space<hbm>>
      tpu.wait_dma2 semaphore(%arg24 : memref<!tpu.dma_semaphore, #tpu.memory_space<semaphore_mem>>) src(%arg12 : memref<2x4096xf32, #tpu.memory_space<vmem>>) dst(%dma_wait3A_201 : memref<2x4096xf32, #tpu.memory_space<hbm>>)
      %parallel_loop3A_202 = arith.constant 0 : i32
      %parallel_loop3A_203 = arith.constant 4096 : i32
      %parallel_loop3A_204 = arith.constant 16 : i32
      scf.for %parallel_loop3A_312 = %parallel_loop3A_202 to %parallel_loop3A_203 step %parallel_loop3A_204  : i32 {
        %parallel_loop3A_313 = arith.constant 4080 : i32
        %parallel_loop3A_314 = arith.subi %parallel_loop3A_313, %parallel_loop3A_312 : i32
        %parallel_loop3A_315 = arith.constant 0 : i32
        %parallel_loop3A_316 = arith.index_cast %parallel_loop3A_315 : i32 to index
        %parallel_loop3A_317 = arith.index_cast %parallel_loop3A_314 : i32 to index
        %parallel_loop3A_318 = tpu.vector_load %arg8[%parallel_loop3A_316, %parallel_loop3A_317] {strides = array<i32>} : memref<2x4096xf32, #tpu.memory_space<vmem>>, vector<1x16xf32>,
        %parallel_loop3A_319 = vector.shape_cast %parallel_loop3A_318 : vector<1x16xf32> to vector<16xf32>
        %parallel_loop3A_320 = arith.constant 15 : i32
        %parallel_loop3A_321 = vector.broadcast %parallel_loop3A_320 : i32 to vector<16xi32>
        %parallel_loop3A_322 = tpu.iota {dimensions = array<i32: 0>} : vector<16xi32>
        %parallel_loop3A_323 = arith.subi %parallel_loop3A_321, %parallel_loop3A_322 : vector<16xi32>
        %parallel_loop3A_324 = tpu.dynamic_gather %parallel_loop3A_319[%parallel_loop3A_323] in [0] : vector<16xf32>, vector<16xi32> -> vector<16xf32>
        %parallel_loop3A_325 = arith.constant 0 : i32
        %parallel_loop3A_326 = arith.index_cast %parallel_loop3A_325 : i32 to index
        %parallel_loop3A_327 = arith.index_cast %parallel_loop3A_312 : i32 to index
        %parallel_loop3A_328 = tpu.vector_load %arg12[%parallel_loop3A_326, %parallel_loop3A_327] {strides = array<i32>} : memref<2x4096xf32, #tpu.memory_space<vmem>>, vector<1x16xf32>,
        %parallel_loop3A_329 = vector.shape_cast %parallel_loop3A_328 : vector<1x16xf32> to vector<16xf32>
        %parallel_loop3A_330 = vector.shape_cast %parallel_loop3A_324 : vector<16xf32> to vector<1x16xf32>
        tpu.vector_store %arg12[%parallel_loop3A_326, %parallel_loop3A_327], %parallel_loop3A_330 {strides = array<i32>} : memref<2x4096xf32, #tpu.memory_space<vmem>>, vector<1x16xf32>,
      } {sc.loop_unroll_factor = 8 : i64, sc.parallel_access}
      %parallel_loop3A_205 = arith.constant 0 : i32
      %parallel_loop3A_206 = arith.constant 4096 : i32
      %parallel_loop3A_207 = arith.constant 16 : i32
      scf.for %parallel_loop3A_312 = %parallel_loop3A_205 to %parallel_loop3A_206 step %parallel_loop3A_207  : i32 {
        %parallel_loop3A_313 = arith.constant 4080 : i32
        %parallel_loop3A_314 = arith.subi %parallel_loop3A_313, %parallel_loop3A_312 : i32
        %parallel_loop3A_315 = arith.constant 1 : i32
        %parallel_loop3A_316 = arith.index_cast %parallel_loop3A_315 : i32 to index
        %parallel_loop3A_317 = arith.index_cast %parallel_loop3A_314 : i32 to index
        %parallel_loop3A_318 = tpu.vector_load %arg8[%parallel_loop3A_316, %parallel_loop3A_317] {strides = array<i32>} : memref<2x4096xf32, #tpu.memory_space<vmem>>, vector<1x16xf32>,
        %parallel_loop3A_319 = vector.shape_cast %parallel_loop3A_318 : vector<1x16xf32> to vector<16xf32>
        %parallel_loop3A_320 = arith.constant 15 : i32
        %parallel_loop3A_321 = vector.broadcast %parallel_loop3A_320 : i32 to vector<16xi32>
        %parallel_loop3A_322 = tpu.iota {dimensions = array<i32: 0>} : vector<16xi32>
        %parallel_loop3A_323 = arith.subi %parallel_loop3A_321, %parallel_loop3A_322 : vector<16xi32>
        %parallel_loop3A_324 = tpu.dynamic_gather %parallel_loop3A_319[%parallel_loop3A_323] in [0] : vector<16xf32>, vector<16xi32> -> vector<16xf32>
        %parallel_loop3A_325 = arith.constant 1 : i32
        %parallel_loop3A_326 = arith.index_cast %parallel_loop3A_325 : i32 to index
        %parallel_loop3A_327 = arith.index_cast %parallel_loop3A_312 : i32 to index
        %parallel_loop3A_328 = tpu.vector_load %arg12[%parallel_loop3A_326, %parallel_loop3A_327] {strides = array<i32>} : memref<2x4096xf32, #tpu.memory_space<vmem>>, vector<1x16xf32>,
        %parallel_loop3A_329 = vector.shape_cast %parallel_loop3A_328 : vector<1x16xf32> to vector<16xf32>
        %parallel_loop3A_330 = vector.shape_cast %parallel_loop3A_324 : vector<16xf32> to vector<1x16xf32>
        tpu.vector_store %arg12[%parallel_loop3A_326, %parallel_loop3A_327], %parallel_loop3A_330 {strides = array<i32>} : memref<2x4096xf32, #tpu.memory_space<vmem>>, vector<1x16xf32>,
      } {sc.loop_unroll_factor = 8 : i64, sc.parallel_access}
      %mul3A_208 = arith.constant 2 : i32
      %mul3A_209 = arith.muli %add3A_193, %mul3A_208 : i32
      %add3A_210 = arith.addi %mul3A_2, %mul3A_209 : i32
      %dma_start3A_211 = arith.constant 0 : i32
      %dma_start3A_212 = tpu.memref_slice %arg3[%add3A_210, %dma_start3A_211] : memref<8192x4096xf32, #tpu.memory_space<hbm>> -> memref<2x4096xf32, #tpu.memory_space<hbm>>
      %dma_start3A_213 = arith.constant 0 : i32
      %dma_start3A_214 = tpu.memref_slice %arg3[%add3A_210, %dma_start3A_213] : memref<8192x4096xf32, #tpu.memory_space<hbm>> -> memref<2x4096xf32, #tpu.memory_space<hbm>>
      tpu.enqueue_dma source(%arg12 : memref<2x4096xf32, #tpu.memory_space<vmem>>) target(%dma_start3A_214 : memref<2x4096xf32, #tpu.memory_space<hbm>>) target_semaphore(%arg24 : memref<!tpu.dma_semaphore, #tpu.memory_space<semaphore_mem>>)
      %add3A_215 = arith.constant 8 : i32
      %add3A_216 = arith.addi %add3A_193, %add3A_215 : i32
      %lt3A_217 = arith.constant 128 : i32
      %lt3A_218 = arith.cmpi slt, %add3A_216, %lt3A_217 : i32
      %convert_element_type3A_219 = arith.extui %lt3A_218 : i1 to i32
      %cond3A_220 = arith.constant 0 : i32
      %cond3A_221 = arith.cmpi ne, %convert_element_type3A_219, %cond3A_220 : i32
      scf.if %cond3A_221 {
        %add3A_312 = arith.constant 8 : i32
        %add3A_313 = arith.addi %add3A_193, %add3A_312 : i32
        %mul3A_314 = arith.constant 2 : i32
        %mul3A_315 = arith.muli %add3A_313, %mul3A_314 : i32
        %add3A_316 = arith.addi %mul3A_2, %mul3A_315 : i32
        %dma_start3A_317 = arith.constant 0 : i32
        %dma_start3A_318 = tpu.memref_slice %arg2[%add3A_316, %dma_start3A_317] : memref<8192x4096xf32, #tpu.memory_space<hbm>> -> memref<2x4096xf32, #tpu.memory_space<hbm>>
        %dma_start3A_319 = arith.constant 0 : i32
        %dma_start3A_320 = tpu.memref_slice %arg2[%add3A_316, %dma_start3A_319] : memref<8192x4096xf32, #tpu.memory_space<hbm>> -> memref<2x4096xf32, #tpu.memory_space<hbm>>
        tpu.enqueue_dma source(%dma_start3A_320 : memref<2x4096xf32, #tpu.memory_space<hbm>>) target(%arg8 : memref<2x4096xf32, #tpu.memory_space<vmem>>) target_semaphore(%arg20 : memref<!tpu.dma_semaphore, #tpu.memory_space<semaphore_mem>>)
      } else {
      }
      %add3A_222 = arith.constant 5 : i32
      %add3A_223 = arith.addi %mul3A_72, %add3A_222 : i32
      %dma_wait3A_224 = arith.constant 0 : i32
      %dma_wait3A_225 = tpu.memref_slice %arg2[%mul3A_2, %dma_wait3A_224] : memref<8192x4096xf32, #tpu.memory_space<hbm>> -> memref<2x4096xf32, #tpu.memory_space<hbm>>
      %dma_wait3A_226 = arith.constant 0 : i32
      %dma_wait3A_227 = tpu.memref_slice %arg2[%mul3A_2, %dma_wait3A_226] : memref<8192x4096xf32, #tpu.memory_space<hbm>> -> memref<2x4096xf32, #tpu.memory_space<hbm>>
      tpu.wait_dma2 semaphore(%arg21 : memref<!tpu.dma_semaphore, #tpu.memory_space<semaphore_mem>>) src(%dma_wait3A_227 : memref<2x4096xf32, #tpu.memory_space<hbm>>) dst(%arg9 : memref<2x4096xf32, #tpu.memory_space<vmem>>)
      %dma_wait3A_228 = arith.constant 0 : i32
      %dma_wait3A_229 = tpu.memref_slice %arg3[%mul3A_2, %dma_wait3A_228] : memref<8192x4096xf32, #tpu.memory_space<hbm>> -> memref<2x4096xf32, #tpu.memory_space<hbm>>
      %dma_wait3A_230 = arith.constant 0 : i32
      %dma_wait3A_231 = tpu.memref_slice %arg3[%mul3A_2, %dma_wait3A_230] : memref<8192x4096xf32, #tpu.memory_space<hbm>> -> memref<2x4096xf32, #tpu.memory_space<hbm>>
      tpu.wait_dma2 semaphore(%arg25 : memref<!tpu.dma_semaphore, #tpu.memory_space<semaphore_mem>>) src(%arg13 : memref<2x4096xf32, #tpu.memory_space<vmem>>) dst(%dma_wait3A_231 : memref<2x4096xf32, #tpu.memory_space<hbm>>)
      %parallel_loop3A_232 = arith.constant 0 : i32
      %parallel_loop3A_233 = arith.constant 4096 : i32
      %parallel_loop3A_234 = arith.constant 16 : i32
      scf.for %parallel_loop3A_312 = %parallel_loop3A_232 to %parallel_loop3A_233 step %parallel_loop3A_234  : i32 {
        %parallel_loop3A_313 = arith.constant 4080 : i32
        %parallel_loop3A_314 = arith.subi %parallel_loop3A_313, %parallel_loop3A_312 : i32
        %parallel_loop3A_315 = arith.constant 0 : i32
        %parallel_loop3A_316 = arith.index_cast %parallel_loop3A_315 : i32 to index
        %parallel_loop3A_317 = arith.index_cast %parallel_loop3A_314 : i32 to index
        %parallel_loop3A_318 = tpu.vector_load %arg9[%parallel_loop3A_316, %parallel_loop3A_317] {strides = array<i32>} : memref<2x4096xf32, #tpu.memory_space<vmem>>, vector<1x16xf32>,
        %parallel_loop3A_319 = vector.shape_cast %parallel_loop3A_318 : vector<1x16xf32> to vector<16xf32>
        %parallel_loop3A_320 = arith.constant 15 : i32
        %parallel_loop3A_321 = vector.broadcast %parallel_loop3A_320 : i32 to vector<16xi32>
        %parallel_loop3A_322 = tpu.iota {dimensions = array<i32: 0>} : vector<16xi32>
        %parallel_loop3A_323 = arith.subi %parallel_loop3A_321, %parallel_loop3A_322 : vector<16xi32>
        %parallel_loop3A_324 = tpu.dynamic_gather %parallel_loop3A_319[%parallel_loop3A_323] in [0] : vector<16xf32>, vector<16xi32> -> vector<16xf32>
        %parallel_loop3A_325 = arith.constant 0 : i32
        %parallel_loop3A_326 = arith.index_cast %parallel_loop3A_325 : i32 to index
        %parallel_loop3A_327 = arith.index_cast %parallel_loop3A_312 : i32 to index
        %parallel_loop3A_328 = tpu.vector_load %arg13[%parallel_loop3A_326, %parallel_loop3A_327] {strides = array<i32>} : memref<2x4096xf32, #tpu.memory_space<vmem>>, vector<1x16xf32>,
        %parallel_loop3A_329 = vector.shape_cast %parallel_loop3A_328 : vector<1x16xf32> to vector<16xf32>
        %parallel_loop3A_330 = vector.shape_cast %parallel_loop3A_324 : vector<16xf32> to vector<1x16xf32>
        tpu.vector_store %arg13[%parallel_loop3A_326, %parallel_loop3A_327], %parallel_loop3A_330 {strides = array<i32>} : memref<2x4096xf32, #tpu.memory_space<vmem>>, vector<1x16xf32>,
      } {sc.loop_unroll_factor = 8 : i64, sc.parallel_access}
      %parallel_loop3A_235 = arith.constant 0 : i32
      %parallel_loop3A_236 = arith.constant 4096 : i32
      %parallel_loop3A_237 = arith.constant 16 : i32
      scf.for %parallel_loop3A_312 = %parallel_loop3A_235 to %parallel_loop3A_236 step %parallel_loop3A_237  : i32 {
        %parallel_loop3A_313 = arith.constant 4080 : i32
        %parallel_loop3A_314 = arith.subi %parallel_loop3A_313, %parallel_loop3A_312 : i32
        %parallel_loop3A_315 = arith.constant 1 : i32
        %parallel_loop3A_316 = arith.index_cast %parallel_loop3A_315 : i32 to index
        %parallel_loop3A_317 = arith.index_cast %parallel_loop3A_314 : i32 to index
        %parallel_loop3A_318 = tpu.vector_load %arg9[%parallel_loop3A_316, %parallel_loop3A_317] {strides = array<i32>} : memref<2x4096xf32, #tpu.memory_space<vmem>>, vector<1x16xf32>,
        %parallel_loop3A_319 = vector.shape_cast %parallel_loop3A_318 : vector<1x16xf32> to vector<16xf32>
        %parallel_loop3A_320 = arith.constant 15 : i32
        %parallel_loop3A_321 = vector.broadcast %parallel_loop3A_320 : i32 to vector<16xi32>
        %parallel_loop3A_322 = tpu.iota {dimensions = array<i32: 0>} : vector<16xi32>
        %parallel_loop3A_323 = arith.subi %parallel_loop3A_321, %parallel_loop3A_322 : vector<16xi32>
        %parallel_loop3A_324 = tpu.dynamic_gather %parallel_loop3A_319[%parallel_loop3A_323] in [0] : vector<16xf32>, vector<16xi32> -> vector<16xf32>
        %parallel_loop3A_325 = arith.constant 1 : i32
        %parallel_loop3A_326 = arith.index_cast %parallel_loop3A_325 : i32 to index
        %parallel_loop3A_327 = arith.index_cast %parallel_loop3A_312 : i32 to index
        %parallel_loop3A_328 = tpu.vector_load %arg13[%parallel_loop3A_326, %parallel_loop3A_327] {strides = array<i32>} : memref<2x4096xf32, #tpu.memory_space<vmem>>, vector<1x16xf32>,
        %parallel_loop3A_329 = vector.shape_cast %parallel_loop3A_328 : vector<1x16xf32> to vector<16xf32>
        %parallel_loop3A_330 = vector.shape_cast %parallel_loop3A_324 : vector<16xf32> to vector<1x16xf32>
        tpu.vector_store %arg13[%parallel_loop3A_326, %parallel_loop3A_327], %parallel_loop3A_330 {strides = array<i32>} : memref<2x4096xf32, #tpu.memory_space<vmem>>, vector<1x16xf32>,
      } {sc.loop_unroll_factor = 8 : i64, sc.parallel_access}
      %mul3A_238 = arith.constant 2 : i32
      %mul3A_239 = arith.muli %add3A_223, %mul3A_238 : i32
      %add3A_240 = arith.addi %mul3A_2, %mul3A_239 : i32
      %dma_start3A_241 = arith.constant 0 : i32
      %dma_start3A_242 = tpu.memref_slice %arg3[%add3A_240, %dma_start3A_241] : memref<8192x4096xf32, #tpu.memory_space<hbm>> -> memref<2x4096xf32, #tpu.memory_space<hbm>>
      %dma_start3A_243 = arith.constant 0 : i32
      %dma_start3A_244 = tpu.memref_slice %arg3[%add3A_240, %dma_start3A_243] : memref<8192x4096xf32, #tpu.memory_space<hbm>> -> memref<2x4096xf32, #tpu.memory_space<hbm>>
      tpu.enqueue_dma source(%arg13 : memref<2x4096xf32, #tpu.memory_space<vmem>>) target(%dma_start3A_244 : memref<2x4096xf32, #tpu.memory_space<hbm>>) target_semaphore(%arg25 : memref<!tpu.dma_semaphore, #tpu.memory_space<semaphore_mem>>)
      %add3A_245 = arith.constant 8 : i32
      %add3A_246 = arith.addi %add3A_223, %add3A_245 : i32
      %lt3A_247 = arith.constant 128 : i32
      %lt3A_248 = arith.cmpi slt, %add3A_246, %lt3A_247 : i32
      %convert_element_type3A_249 = arith.extui %lt3A_248 : i1 to i32
      %cond3A_250 = arith.constant 0 : i32
      %cond3A_251 = arith.cmpi ne, %convert_element_type3A_249, %cond3A_250 : i32
      scf.if %cond3A_251 {
        %add3A_312 = arith.constant 8 : i32
        %add3A_313 = arith.addi %add3A_223, %add3A_312 : i32
        %mul3A_314 = arith.constant 2 : i32
        %mul3A_315 = arith.muli %add3A_313, %mul3A_314 : i32
        %add3A_316 = arith.addi %mul3A_2, %mul3A_315 : i32
        %dma_start3A_317 = arith.constant 0 : i32
        %dma_start3A_318 = tpu.memref_slice %arg2[%add3A_316, %dma_start3A_317] : memref<8192x4096xf32, #tpu.memory_space<hbm>> -> memref<2x4096xf32, #tpu.memory_space<hbm>>
        %dma_start3A_319 = arith.constant 0 : i32
        %dma_start3A_320 = tpu.memref_slice %arg2[%add3A_316, %dma_start3A_319] : memref<8192x4096xf32, #tpu.memory_space<hbm>> -> memref<2x4096xf32, #tpu.memory_space<hbm>>
        tpu.enqueue_dma source(%dma_start3A_320 : memref<2x4096xf32, #tpu.memory_space<hbm>>) target(%arg9 : memref<2x4096xf32, #tpu.memory_space<vmem>>) target_semaphore(%arg21 : memref<!tpu.dma_semaphore, #tpu.memory_space<semaphore_mem>>)
      } else {
      }
      %add3A_252 = arith.constant 6 : i32
      %add3A_253 = arith.addi %mul3A_72, %add3A_252 : i32
      %dma_wait3A_254 = arith.constant 0 : i32
      %dma_wait3A_255 = tpu.memref_slice %arg2[%mul3A_2, %dma_wait3A_254] : memref<8192x4096xf32, #tpu.memory_space<hbm>> -> memref<2x4096xf32, #tpu.memory_space<hbm>>
      %dma_wait3A_256 = arith.constant 0 : i32
      %dma_wait3A_257 = tpu.memref_slice %arg2[%mul3A_2, %dma_wait3A_256] : memref<8192x4096xf32, #tpu.memory_space<hbm>> -> memref<2x4096xf32, #tpu.memory_space<hbm>>
      tpu.wait_dma2 semaphore(%arg22 : memref<!tpu.dma_semaphore, #tpu.memory_space<semaphore_mem>>) src(%dma_wait3A_257 : memref<2x4096xf32, #tpu.memory_space<hbm>>) dst(%arg10 : memref<2x4096xf32, #tpu.memory_space<vmem>>)
      %dma_wait3A_258 = arith.constant 0 : i32
      %dma_wait3A_259 = tpu.memref_slice %arg3[%mul3A_2, %dma_wait3A_258] : memref<8192x4096xf32, #tpu.memory_space<hbm>> -> memref<2x4096xf32, #tpu.memory_space<hbm>>
      %dma_wait3A_260 = arith.constant 0 : i32
      %dma_wait3A_261 = tpu.memref_slice %arg3[%mul3A_2, %dma_wait3A_260] : memref<8192x4096xf32, #tpu.memory_space<hbm>> -> memref<2x4096xf32, #tpu.memory_space<hbm>>
      tpu.wait_dma2 semaphore(%arg26 : memref<!tpu.dma_semaphore, #tpu.memory_space<semaphore_mem>>) src(%arg14 : memref<2x4096xf32, #tpu.memory_space<vmem>>) dst(%dma_wait3A_261 : memref<2x4096xf32, #tpu.memory_space<hbm>>)
      %parallel_loop3A_262 = arith.constant 0 : i32
      %parallel_loop3A_263 = arith.constant 4096 : i32
      %parallel_loop3A_264 = arith.constant 16 : i32
      scf.for %parallel_loop3A_312 = %parallel_loop3A_262 to %parallel_loop3A_263 step %parallel_loop3A_264  : i32 {
        %parallel_loop3A_313 = arith.constant 4080 : i32
        %parallel_loop3A_314 = arith.subi %parallel_loop3A_313, %parallel_loop3A_312 : i32
        %parallel_loop3A_315 = arith.constant 0 : i32
        %parallel_loop3A_316 = arith.index_cast %parallel_loop3A_315 : i32 to index
        %parallel_loop3A_317 = arith.index_cast %parallel_loop3A_314 : i32 to index
        %parallel_loop3A_318 = tpu.vector_load %arg10[%parallel_loop3A_316, %parallel_loop3A_317] {strides = array<i32>} : memref<2x4096xf32, #tpu.memory_space<vmem>>, vector<1x16xf32>,
        %parallel_loop3A_319 = vector.shape_cast %parallel_loop3A_318 : vector<1x16xf32> to vector<16xf32>
        %parallel_loop3A_320 = arith.constant 15 : i32
        %parallel_loop3A_321 = vector.broadcast %parallel_loop3A_320 : i32 to vector<16xi32>
        %parallel_loop3A_322 = tpu.iota {dimensions = array<i32: 0>} : vector<16xi32>
        %parallel_loop3A_323 = arith.subi %parallel_loop3A_321, %parallel_loop3A_322 : vector<16xi32>
        %parallel_loop3A_324 = tpu.dynamic_gather %parallel_loop3A_319[%parallel_loop3A_323] in [0] : vector<16xf32>, vector<16xi32> -> vector<16xf32>
        %parallel_loop3A_325 = arith.constant 0 : i32
        %parallel_loop3A_326 = arith.index_cast %parallel_loop3A_325 : i32 to index
        %parallel_loop3A_327 = arith.index_cast %parallel_loop3A_312 : i32 to index
        %parallel_loop3A_328 = tpu.vector_load %arg14[%parallel_loop3A_326, %parallel_loop3A_327] {strides = array<i32>} : memref<2x4096xf32, #tpu.memory_space<vmem>>, vector<1x16xf32>,
        %parallel_loop3A_329 = vector.shape_cast %parallel_loop3A_328 : vector<1x16xf32> to vector<16xf32>
        %parallel_loop3A_330 = vector.shape_cast %parallel_loop3A_324 : vector<16xf32> to vector<1x16xf32>
        tpu.vector_store %arg14[%parallel_loop3A_326, %parallel_loop3A_327], %parallel_loop3A_330 {strides = array<i32>} : memref<2x4096xf32, #tpu.memory_space<vmem>>, vector<1x16xf32>,
      } {sc.loop_unroll_factor = 8 : i64, sc.parallel_access}
      %parallel_loop3A_265 = arith.constant 0 : i32
      %parallel_loop3A_266 = arith.constant 4096 : i32
      %parallel_loop3A_267 = arith.constant 16 : i32
      scf.for %parallel_loop3A_312 = %parallel_loop3A_265 to %parallel_loop3A_266 step %parallel_loop3A_267  : i32 {
        %parallel_loop3A_313 = arith.constant 4080 : i32
        %parallel_loop3A_314 = arith.subi %parallel_loop3A_313, %parallel_loop3A_312 : i32
        %parallel_loop3A_315 = arith.constant 1 : i32
        %parallel_loop3A_316 = arith.index_cast %parallel_loop3A_315 : i32 to index
        %parallel_loop3A_317 = arith.index_cast %parallel_loop3A_314 : i32 to index
        %parallel_loop3A_318 = tpu.vector_load %arg10[%parallel_loop3A_316, %parallel_loop3A_317] {strides = array<i32>} : memref<2x4096xf32, #tpu.memory_space<vmem>>, vector<1x16xf32>,
        %parallel_loop3A_319 = vector.shape_cast %parallel_loop3A_318 : vector<1x16xf32> to vector<16xf32>
        %parallel_loop3A_320 = arith.constant 15 : i32
        %parallel_loop3A_321 = vector.broadcast %parallel_loop3A_320 : i32 to vector<16xi32>
        %parallel_loop3A_322 = tpu.iota {dimensions = array<i32: 0>} : vector<16xi32>
        %parallel_loop3A_323 = arith.subi %parallel_loop3A_321, %parallel_loop3A_322 : vector<16xi32>
        %parallel_loop3A_324 = tpu.dynamic_gather %parallel_loop3A_319[%parallel_loop3A_323] in [0] : vector<16xf32>, vector<16xi32> -> vector<16xf32>
        %parallel_loop3A_325 = arith.constant 1 : i32
        %parallel_loop3A_326 = arith.index_cast %parallel_loop3A_325 : i32 to index
        %parallel_loop3A_327 = arith.index_cast %parallel_loop3A_312 : i32 to index
        %parallel_loop3A_328 = tpu.vector_load %arg14[%parallel_loop3A_326, %parallel_loop3A_327] {strides = array<i32>} : memref<2x4096xf32, #tpu.memory_space<vmem>>, vector<1x16xf32>,
        %parallel_loop3A_329 = vector.shape_cast %parallel_loop3A_328 : vector<1x16xf32> to vector<16xf32>
        %parallel_loop3A_330 = vector.shape_cast %parallel_loop3A_324 : vector<16xf32> to vector<1x16xf32>
        tpu.vector_store %arg14[%parallel_loop3A_326, %parallel_loop3A_327], %parallel_loop3A_330 {strides = array<i32>} : memref<2x4096xf32, #tpu.memory_space<vmem>>, vector<1x16xf32>,
      } {sc.loop_unroll_factor = 8 : i64, sc.parallel_access}
      %mul3A_268 = arith.constant 2 : i32
      %mul3A_269 = arith.muli %add3A_253, %mul3A_268 : i32
      %add3A_270 = arith.addi %mul3A_2, %mul3A_269 : i32
      %dma_start3A_271 = arith.constant 0 : i32
      %dma_start3A_272 = tpu.memref_slice %arg3[%add3A_270, %dma_start3A_271] : memref<8192x4096xf32, #tpu.memory_space<hbm>> -> memref<2x4096xf32, #tpu.memory_space<hbm>>
      %dma_start3A_273 = arith.constant 0 : i32
      %dma_start3A_274 = tpu.memref_slice %arg3[%add3A_270, %dma_start3A_273] : memref<8192x4096xf32, #tpu.memory_space<hbm>> -> memref<2x4096xf32, #tpu.memory_space<hbm>>
      tpu.enqueue_dma source(%arg14 : memref<2x4096xf32, #tpu.memory_space<vmem>>) target(%dma_start3A_274 : memref<2x4096xf32, #tpu.memory_space<hbm>>) target_semaphore(%arg26 : memref<!tpu.dma_semaphore, #tpu.memory_space<semaphore_mem>>)
      %add3A_275 = arith.constant 8 : i32
      %add3A_276 = arith.addi %add3A_253, %add3A_275 : i32
      %lt3A_277 = arith.constant 128 : i32
      %lt3A_278 = arith.cmpi slt, %add3A_276, %lt3A_277 : i32
      %convert_element_type3A_279 = arith.extui %lt3A_278 : i1 to i32
      %cond3A_280 = arith.constant 0 : i32
      %cond3A_281 = arith.cmpi ne, %convert_element_type3A_279, %cond3A_280 : i32
      scf.if %cond3A_281 {
        %add3A_312 = arith.constant 8 : i32
        %add3A_313 = arith.addi %add3A_253, %add3A_312 : i32
        %mul3A_314 = arith.constant 2 : i32
        %mul3A_315 = arith.muli %add3A_313, %mul3A_314 : i32
        %add3A_316 = arith.addi %mul3A_2, %mul3A_315 : i32
        %dma_start3A_317 = arith.constant 0 : i32
        %dma_start3A_318 = tpu.memref_slice %arg2[%add3A_316, %dma_start3A_317] : memref<8192x4096xf32, #tpu.memory_space<hbm>> -> memref<2x4096xf32, #tpu.memory_space<hbm>>
        %dma_start3A_319 = arith.constant 0 : i32
        %dma_start3A_320 = tpu.memref_slice %arg2[%add3A_316, %dma_start3A_319] : memref<8192x4096xf32, #tpu.memory_space<hbm>> -> memref<2x4096xf32, #tpu.memory_space<hbm>>
        tpu.enqueue_dma source(%dma_start3A_320 : memref<2x4096xf32, #tpu.memory_space<hbm>>) target(%arg10 : memref<2x4096xf32, #tpu.memory_space<vmem>>) target_semaphore(%arg22 : memref<!tpu.dma_semaphore, #tpu.memory_space<semaphore_mem>>)
      } else {
      }
      %add3A_282 = arith.constant 7 : i32
      %add3A_283 = arith.addi %mul3A_72, %add3A_282 : i32
      %dma_wait3A_284 = arith.constant 0 : i32
      %dma_wait3A_285 = tpu.memref_slice %arg2[%mul3A_2, %dma_wait3A_284] : memref<8192x4096xf32, #tpu.memory_space<hbm>> -> memref<2x4096xf32, #tpu.memory_space<hbm>>
      %dma_wait3A_286 = arith.constant 0 : i32
      %dma_wait3A_287 = tpu.memref_slice %arg2[%mul3A_2, %dma_wait3A_286] : memref<8192x4096xf32, #tpu.memory_space<hbm>> -> memref<2x4096xf32, #tpu.memory_space<hbm>>
      tpu.wait_dma2 semaphore(%arg23 : memref<!tpu.dma_semaphore, #tpu.memory_space<semaphore_mem>>) src(%dma_wait3A_287 : memref<2x4096xf32, #tpu.memory_space<hbm>>) dst(%arg11 : memref<2x4096xf32, #tpu.memory_space<vmem>>)
      %dma_wait3A_288 = arith.constant 0 : i32
      %dma_wait3A_289 = tpu.memref_slice %arg3[%mul3A_2, %dma_wait3A_288] : memref<8192x4096xf32, #tpu.memory_space<hbm>> -> memref<2x4096xf32, #tpu.memory_space<hbm>>
      %dma_wait3A_290 = arith.constant 0 : i32
      %dma_wait3A_291 = tpu.memref_slice %arg3[%mul3A_2, %dma_wait3A_290] : memref<8192x4096xf32, #tpu.memory_space<hbm>> -> memref<2x4096xf32, #tpu.memory_space<hbm>>
      tpu.wait_dma2 semaphore(%arg27 : memref<!tpu.dma_semaphore, #tpu.memory_space<semaphore_mem>>) src(%arg15 : memref<2x4096xf32, #tpu.memory_space<vmem>>) dst(%dma_wait3A_291 : memref<2x4096xf32, #tpu.memory_space<hbm>>)
      %parallel_loop3A_292 = arith.constant 0 : i32
      %parallel_loop3A_293 = arith.constant 4096 : i32
      %parallel_loop3A_294 = arith.constant 16 : i32
      scf.for %parallel_loop3A_312 = %parallel_loop3A_292 to %parallel_loop3A_293 step %parallel_loop3A_294  : i32 {
        %parallel_loop3A_313 = arith.constant 4080 : i32
        %parallel_loop3A_314 = arith.subi %parallel_loop3A_313, %parallel_loop3A_312 : i32
        %parallel_loop3A_315 = arith.constant 0 : i32
        %parallel_loop3A_316 = arith.index_cast %parallel_loop3A_315 : i32 to index
        %parallel_loop3A_317 = arith.index_cast %parallel_loop3A_314 : i32 to index
        %parallel_loop3A_318 = tpu.vector_load %arg11[%parallel_loop3A_316, %parallel_loop3A_317] {strides = array<i32>} : memref<2x4096xf32, #tpu.memory_space<vmem>>, vector<1x16xf32>,
        %parallel_loop3A_319 = vector.shape_cast %parallel_loop3A_318 : vector<1x16xf32> to vector<16xf32>
        %parallel_loop3A_320 = arith.constant 15 : i32
        %parallel_loop3A_321 = vector.broadcast %parallel_loop3A_320 : i32 to vector<16xi32>
        %parallel_loop3A_322 = tpu.iota {dimensions = array<i32: 0>} : vector<16xi32>
        %parallel_loop3A_323 = arith.subi %parallel_loop3A_321, %parallel_loop3A_322 : vector<16xi32>
        %parallel_loop3A_324 = tpu.dynamic_gather %parallel_loop3A_319[%parallel_loop3A_323] in [0] : vector<16xf32>, vector<16xi32> -> vector<16xf32>
        %parallel_loop3A_325 = arith.constant 0 : i32
        %parallel_loop3A_326 = arith.index_cast %parallel_loop3A_325 : i32 to index
        %parallel_loop3A_327 = arith.index_cast %parallel_loop3A_312 : i32 to index
        %parallel_loop3A_328 = tpu.vector_load %arg15[%parallel_loop3A_326, %parallel_loop3A_327] {strides = array<i32>} : memref<2x4096xf32, #tpu.memory_space<vmem>>, vector<1x16xf32>,
        %parallel_loop3A_329 = vector.shape_cast %parallel_loop3A_328 : vector<1x16xf32> to vector<16xf32>
        %parallel_loop3A_330 = vector.shape_cast %parallel_loop3A_324 : vector<16xf32> to vector<1x16xf32>
        tpu.vector_store %arg15[%parallel_loop3A_326, %parallel_loop3A_327], %parallel_loop3A_330 {strides = array<i32>} : memref<2x4096xf32, #tpu.memory_space<vmem>>, vector<1x16xf32>,
      } {sc.loop_unroll_factor = 8 : i64, sc.parallel_access}
      %parallel_loop3A_295 = arith.constant 0 : i32
      %parallel_loop3A_296 = arith.constant 4096 : i32
      %parallel_loop3A_297 = arith.constant 16 : i32
      scf.for %parallel_loop3A_312 = %parallel_loop3A_295 to %parallel_loop3A_296 step %parallel_loop3A_297  : i32 {
        %parallel_loop3A_313 = arith.constant 4080 : i32
        %parallel_loop3A_314 = arith.subi %parallel_loop3A_313, %parallel_loop3A_312 : i32
        %parallel_loop3A_315 = arith.constant 1 : i32
        %parallel_loop3A_316 = arith.index_cast %parallel_loop3A_315 : i32 to index
        %parallel_loop3A_317 = arith.index_cast %parallel_loop3A_314 : i32 to index
        %parallel_loop3A_318 = tpu.vector_load %arg11[%parallel_loop3A_316, %parallel_loop3A_317] {strides = array<i32>} : memref<2x4096xf32, #tpu.memory_space<vmem>>, vector<1x16xf32>,
        %parallel_loop3A_319 = vector.shape_cast %parallel_loop3A_318 : vector<1x16xf32> to vector<16xf32>
        %parallel_loop3A_320 = arith.constant 15 : i32
        %parallel_loop3A_321 = vector.broadcast %parallel_loop3A_320 : i32 to vector<16xi32>
        %parallel_loop3A_322 = tpu.iota {dimensions = array<i32: 0>} : vector<16xi32>
        %parallel_loop3A_323 = arith.subi %parallel_loop3A_321, %parallel_loop3A_322 : vector<16xi32>
        %parallel_loop3A_324 = tpu.dynamic_gather %parallel_loop3A_319[%parallel_loop3A_323] in [0] : vector<16xf32>, vector<16xi32> -> vector<16xf32>
        %parallel_loop3A_325 = arith.constant 1 : i32
        %parallel_loop3A_326 = arith.index_cast %parallel_loop3A_325 : i32 to index
        %parallel_loop3A_327 = arith.index_cast %parallel_loop3A_312 : i32 to index
        %parallel_loop3A_328 = tpu.vector_load %arg15[%parallel_loop3A_326, %parallel_loop3A_327] {strides = array<i32>} : memref<2x4096xf32, #tpu.memory_space<vmem>>, vector<1x16xf32>,
        %parallel_loop3A_329 = vector.shape_cast %parallel_loop3A_328 : vector<1x16xf32> to vector<16xf32>
        %parallel_loop3A_330 = vector.shape_cast %parallel_loop3A_324 : vector<16xf32> to vector<1x16xf32>
        tpu.vector_store %arg15[%parallel_loop3A_326, %parallel_loop3A_327], %parallel_loop3A_330 {strides = array<i32>} : memref<2x4096xf32, #tpu.memory_space<vmem>>, vector<1x16xf32>,
      } {sc.loop_unroll_factor = 8 : i64, sc.parallel_access}
      %mul3A_298 = arith.constant 2 : i32
      %mul3A_299 = arith.muli %add3A_283, %mul3A_298 : i32
      %add3A_300 = arith.addi %mul3A_2, %mul3A_299 : i32
      %dma_start3A_301 = arith.constant 0 : i32
      %dma_start3A_302 = tpu.memref_slice %arg3[%add3A_300, %dma_start3A_301] : memref<8192x4096xf32, #tpu.memory_space<hbm>> -> memref<2x4096xf32, #tpu.memory_space<hbm>>
      %dma_start3A_303 = arith.constant 0 : i32
      %dma_start3A_304 = tpu.memref_slice %arg3[%add3A_300, %dma_start3A_303] : memref<8192x4096xf32, #tpu.memory_space<hbm>> -> memref<2x4096xf32, #tpu.memory_space<hbm>>
      tpu.enqueue_dma source(%arg15 : memref<2x4096xf32, #tpu.memory_space<vmem>>) target(%dma_start3A_304 : memref<2x4096xf32, #tpu.memory_space<hbm>>) target_semaphore(%arg27 : memref<!tpu.dma_semaphore, #tpu.memory_space<semaphore_mem>>)
      %add3A_305 = arith.constant 8 : i32
      %add3A_306 = arith.addi %add3A_283, %add3A_305 : i32
      %lt3A_307 = arith.constant 128 : i32
      %lt3A_308 = arith.cmpi slt, %add3A_306, %lt3A_307 : i32
      %convert_element_type3A_309 = arith.extui %lt3A_308 : i1 to i32
      %cond3A_310 = arith.constant 0 : i32
      %cond3A_311 = arith.cmpi ne, %convert_element_type3A_309, %cond3A_310 : i32
      scf.if %cond3A_311 {
        %add3A_312 = arith.constant 8 : i32
        %add3A_313 = arith.addi %add3A_283, %add3A_312 : i32
        %mul3A_314 = arith.constant 2 : i32
        %mul3A_315 = arith.muli %add3A_313, %mul3A_314 : i32
        %add3A_316 = arith.addi %mul3A_2, %mul3A_315 : i32
        %dma_start3A_317 = arith.constant 0 : i32
        %dma_start3A_318 = tpu.memref_slice %arg2[%add3A_316, %dma_start3A_317] : memref<8192x4096xf32, #tpu.memory_space<hbm>> -> memref<2x4096xf32, #tpu.memory_space<hbm>>
        %dma_start3A_319 = arith.constant 0 : i32
        %dma_start3A_320 = tpu.memref_slice %arg2[%add3A_316, %dma_start3A_319] : memref<8192x4096xf32, #tpu.memory_space<hbm>> -> memref<2x4096xf32, #tpu.memory_space<hbm>>
        tpu.enqueue_dma source(%dma_start3A_320 : memref<2x4096xf32, #tpu.memory_space<hbm>>) target(%arg11 : memref<2x4096xf32, #tpu.memory_space<vmem>>) target_semaphore(%arg23 : memref<!tpu.dma_semaphore, #tpu.memory_space<semaphore_mem>>)
      } else {
      }
    }
    %scan3A_54 = arith.constant 16 : i32
    %dma_wait3A = arith.constant 0 : i32
    %dma_wait3A_55 = tpu.memref_slice %arg3[%mul3A_2, %dma_wait3A] : memref<8192x4096xf32, #tpu.memory_space<hbm>> -> memref<2x4096xf32, #tpu.memory_space<hbm>>
    %dma_wait3A_56 = arith.constant 0 : i32
    %dma_wait3A_57 = tpu.memref_slice %arg3[%mul3A_2, %dma_wait3A_56] : memref<8192x4096xf32, #tpu.memory_space<hbm>> -> memref<2x4096xf32, #tpu.memory_space<hbm>>
    tpu.wait_dma2 semaphore(%arg24 : memref<!tpu.dma_semaphore, #tpu.memory_space<semaphore_mem>>) src(%arg12 : memref<2x4096xf32, #tpu.memory_space<vmem>>) dst(%dma_wait3A_57 : memref<2x4096xf32, #tpu.memory_space<hbm>>)
    %dma_wait3A_58 = arith.constant 0 : i32
    %dma_wait3A_59 = tpu.memref_slice %arg3[%mul3A_2, %dma_wait3A_58] : memref<8192x4096xf32, #tpu.memory_space<hbm>> -> memref<2x4096xf32, #tpu.memory_space<hbm>>
    %dma_wait3A_60 = arith.constant 0 : i32
    %dma_wait3A_61 = tpu.memref_slice %arg3[%mul3A_2, %dma_wait3A_60] : memref<8192x4096xf32, #tpu.memory_space<hbm>> -> memref<2x4096xf32, #tpu.memory_space<hbm>>
    tpu.wait_dma2 semaphore(%arg25 : memref<!tpu.dma_semaphore, #tpu.memory_space<semaphore_mem>>) src(%arg13 : memref<2x4096xf32, #tpu.memory_space<vmem>>) dst(%dma_wait3A_61 : memref<2x4096xf32, #tpu.memory_space<hbm>>)
    %dma_wait3A_62 = arith.constant 0 : i32
    %dma_wait3A_63 = tpu.memref_slice %arg3[%mul3A_2, %dma_wait3A_62] : memref<8192x4096xf32, #tpu.memory_space<hbm>> -> memref<2x4096xf32, #tpu.memory_space<hbm>>
    %dma_wait3A_64 = arith.constant 0 : i32
    %dma_wait3A_65 = tpu.memref_slice %arg3[%mul3A_2, %dma_wait3A_64] : memref<8192x4096xf32, #tpu.memory_space<hbm>> -> memref<2x4096xf32, #tpu.memory_space<hbm>>
    tpu.wait_dma2 semaphore(%arg26 : memref<!tpu.dma_semaphore, #tpu.memory_space<semaphore_mem>>) src(%arg14 : memref<2x4096xf32, #tpu.memory_space<vmem>>) dst(%dma_wait3A_65 : memref<2x4096xf32, #tpu.memory_space<hbm>>)
    %dma_wait3A_66 = arith.constant 0 : i32
    %dma_wait3A_67 = tpu.memref_slice %arg3[%mul3A_2, %dma_wait3A_66] : memref<8192x4096xf32, #tpu.memory_space<hbm>> -> memref<2x4096xf32, #tpu.memory_space<hbm>>
    %dma_wait3A_68 = arith.constant 0 : i32
    %dma_wait3A_69 = tpu.memref_slice %arg3[%mul3A_2, %dma_wait3A_68] : memref<8192x4096xf32, #tpu.memory_space<hbm>> -> memref<2x4096xf32, #tpu.memory_space<hbm>>
    tpu.wait_dma2 semaphore(%arg27 : memref<!tpu.dma_semaphore, #tpu.memory_space<semaphore_mem>>) src(%arg15 : memref<2x4096xf32, #tpu.memory_space<vmem>>) dst(%dma_wait3A_69 : memref<2x4096xf32, #tpu.memory_space<hbm>>)
    return
  }
}

</mosaic_0001>

<sc_bundles>
// kernel: kernel.3.cloned.1.call-start
scs
__scs_entry_jumppad:
0x0: {  	(pc) =	sbr.rel $0x88, $3  }
0x1: {  	(tag) =	ssettag $0x0;
	lr =	simm.s32 $0x1  }
0x2: {  	[smem:$0x3FA0] =	sst lr;
	_ =	strace $0xD0000000  }
0x3: {  	_ = 	snop  }
0x4: {  	_ = 	snop  }
0x5: {  	_ = 	snop  }
0x6: {  	_ = 	snop  }
0x7: {  	_ = 	snop  }
__scs_overlays_trampoline_lowered:
0x8: {  	[smem:$0x3FAF] =	sst s0  }
0x9: {  	[smem:$0x3FB0] =	sst s1  }
0xa: {  	[smem:$0x3FB1] =	sst s2  }
0xb: {  	[smem:$0x3FB2] =	sst s3  }
0xc: {  	[smem:$0x3FB3] =	sst s4  }
0xd: {  	[smem:$0x3FB4] =	sst s5  }
0xe: {  	[smem:$0x3FB5] =	sst s6  }
0xf: {  	[smem:$0x3FB6] =	sst s7  }
0x10: {  	[smem:$0x3FB7] =	sst s8  }
0x11: {  	[smem:$0x3FB8] =	sst s9;
	s0 =	simm.s32 @!p0 $0x0  }
0x12: {  	s1 =	sld [smem:$0x3F9E];
	s0 =	simm.s32 @p0 $0x1  }
0x13: {  	[smem:$0x3FB9] =	sst s0;
	s0 =	simm.s32 @!p1 $0x0  }
0x14: {  	s2 =	sld [smem:$0x3F9D];
	s0 =	simm.s32 @p1 $0x1  }
0x15: {  	[smem:$0x3FBA] =	sst s0;
	s0 =	simm.s32 @!p2 $0x0  }
0x16: {  	s3 =	sld [smem:$0x3FDB];
	s0 =	simm.s32 @p2 $0x1  }
0x17: {  	s4 =	simm.s32 $0x1BF5;
	[smem:$0x3FBC] =	sst s0  }
0x18: {  	s0 =	sld [smem:$0x3F9F];
	_ =	swait.ge [sflag:s4], $0x0  }
0x19: {  	s7 =	sld [smem:$0x3FA0]  }
0x1a: {  	s8 =	sadd.s32 $0xFFFFE003, lr  }
0x1b: {  	s9 =	sadd.s32 $0xFFFFFEF7, lr;
	s5 =	simm.s32 $0xFFFFFFFF;
	p2 =	slt.u32 s8, $0xFFFFF086  }
0x1c: {  	p1 =	slt.u32 s9, $0xF7A;
	s5 =	simm.s32 @!p2 $0x0  }
0x1d: {  	s5 =	simm.s32 @p1 $0x1;
	p0 =	seq.s32 s7, s2  }
0x1e: {  	s7 =	smul.u32 @!p0 $0xF7A, s2;
	p2 =	seq.s32 @!p0 s5, $0x0  }
0x1f: {  	s9 =	smul.u32 $0xF7A, s1;
	s8 =	simm.s32 @!p0 $0x1BF5;
	p2 =	por !p2, p0  }
0x20: {  	[sflag:s8] =	ssyncset.s32 @!p0 $0xFFFFF086;
	s6 =	sadd.s32 @!p0 s3, s7;
	s7 =	simm.s32 @!p0 $0x108  }
0x21: {  	s3 =	sadd.s32 s3, s9;
	s6 =	sadd.s32 @!p0 $0x88, s6;
	s7 =	simm.s32 @p2 $0x1082  }
0x22: {  	[simem:s7], [sflag:s8] =	dma.local @!p0 [hbm:s6], $0xF7A  }
0x23: {  	s9 =	sor.u32 $0xD0000000, s2;
	s6 =	simm.s32 $0x108;
	_ =	swait.ge @!p0 [sflag:s8], $0x0  }
0x24: {  	s3 =	sadd.s32 $0x88, s3;
	s6 =	simm.s32 @!p1 $0x1082;
	[sflag:s4] =	ssyncset.s32 $0xFFFFF086  }
0x25: {  	[simem:s6], [sflag:s4] =	dma.local [hbm:s3], $0xF7A  }
0x26: {  	[smem:$0x3FA0] =	sst s1;
	(tag) =	ssettag s2;
	_ =	strace s9  }
0x27: {  	s1 =	sld [smem:$0x3FB0]  }
0x28: {  	s2 =	sld [smem:$0x3FB1]  }
0x29: {  	s4 =	sld [smem:$0x3FB3]  }
0x2a: {  	p0 =	seq.s32 s5, $0x0;
	s5 =	sld [smem:$0x3FB4]  }
0x2b: {  	s6 =	sld [smem:$0x3FB5]  }
0x2c: {  	s7 =	sld [smem:$0x3FB6]  }
0x2d: {  	s3 =	simm.s32 $0x108;
	s8 =	sld [smem:$0x3FB7]  }
0x2e: {  	s3 =	simm.s32 @!p0 $0x1082;
	s9 =	sld [smem:$0x3FB8]  }
0x2f: {  	lr =	sadd.s32 s0, s3;
	s0 =	sld [smem:$0x3FAF]  }
0x30: {  	s3 =	sld [smem:$0x3FB2]  }
0x31: {  	[smem:$0x3FBB] =	sst s10  }
0x32: {  	s10 =	sld [smem:$0x3FB9];
	_ =	sdelay $0x3  }
0x33: {  	p0 =	seq.s32 s10, $0x1;
	s10 =	sld [smem:$0x3FBB];
	_ =	sdelay $0x3  }
0x34: {  	[smem:$0x3FBB] =	sst s10  }
0x35: {  	s10 =	sld [smem:$0x3FBA];
	_ =	sdelay $0x3  }
0x36: {  	p1 =	seq.s32 s10, $0x1;
	s10 =	sld [smem:$0x3FBB];
	_ =	sdelay $0x3  }
0x37: {  	[smem:$0x3FBB] =	sst s10  }
0x38: {  	s10 =	sld [smem:$0x3FBC]  }
0x39: {  	_ = 	snop;
	(pc) =	sbr.ind lr, $3  }
0x3a: {  	_ = 	snop  }
0x3b: {  	_ = 	snop  }
0x3c: {  	p2 =	seq.s32 s10, $0x1;
	s10 =	sld [smem:$0x3FBB]  }
0x3d: {  	_ =	shalt  }
0x3e: {  	_ =	shalt  }
0x3f: {  	_ =	shalt  }
0x40: {  	_ =	shalt  }
0x41: {  	_ =	shalt  }
0x42: {  	_ =	shalt  }
0x43: {  	_ =	shalt  }
0x44: {  	_ =	shalt  }
0x45: {  	_ =	shalt  }
0x46: {  	_ =	shalt  }
0x47: {  	_ =	shalt  }
0x48: {  	_ =	shalt  }
0x49: {  	_ =	shalt  }
0x4a: {  	_ =	shalt  }
0x4b: {  	_ =	shalt  }
0x4c: {  	_ =	shalt  }
0x4d: {  	_ =	shalt  }
0x4e: {  	_ =	shalt  }
0x4f: {  	_ =	shalt  }
0x50: {  	_ =	shalt  }
0x51: {  	_ =	shalt  }
0x52: {  	_ =	shalt  }
0x53: {  	_ =	shalt  }
0x54: {  	_ =	shalt  }
0x55: {  	_ =	shalt  }
0x56: {  	_ =	shalt  }
0x57: {  	_ =	shalt  }
0x58: {  	_ =	shalt  }
0x59: {  	_ =	shalt  }
0x5a: {  	_ =	shalt  }
0x5b: {  	_ =	shalt  }
0x5c: {  	_ =	shalt  }
0x5d: {  	_ =	shalt  }
0x5e: {  	_ =	shalt  }
0x5f: {  	_ =	shalt  }
0x60: {  	_ =	shalt  }
0x61: {  	_ =	shalt  }
0x62: {  	_ =	shalt  }
0x63: {  	_ =	shalt  }
0x64: {  	_ =	shalt  }
0x65: {  	_ =	shalt  }
0x66: {  	_ =	shalt  }
0x67: {  	_ =	shalt  }
0x68: {  	_ =	shalt  }
0x69: {  	_ =	shalt  }
0x6a: {  	_ =	shalt  }
0x6b: {  	_ =	shalt  }
0x6c: {  	_ =	shalt  }
0x6d: {  	_ =	shalt  }
0x6e: {  	_ =	shalt  }
0x6f: {  	_ =	shalt  }
0x70: {  	_ =	shalt  }
0x71: {  	_ =	shalt  }
0x72: {  	_ =	shalt  }
0x73: {  	_ =	shalt  }
0x74: {  	_ =	shalt  }
0x75: {  	_ =	shalt  }
0x76: {  	_ =	shalt  }
0x77: {  	_ =	shalt  }
0x78: {  	_ =	shalt  }
0x79: {  	_ =	shalt  }
0x7a: {  	_ =	shalt  }
0x7b: {  	_ =	shalt  }
0x7c: {  	_ =	shalt  }
0x7d: {  	_ =	shalt  }
0x7e: {  	_ =	shalt  }
0x7f: {  	_ =	shalt  }
0x80: {  	_ =	shalt  }
0x81: {  	_ =	shalt  }
0x82: {  	_ =	shalt  }
0x83: {  	_ =	shalt  }
0x84: {  	_ =	shalt  }
0x85: {  	_ =	shalt  }
0x86: {  	_ =	shalt  }
0x87: {  	_ =	shalt  }
.Lfunc_end0:
.L_simem_size_0:
called_computation_lowered:
.L_overlay_start_0:
0x88: {  	s2 =	sld [smem:$0x3FD9]  }
0x89: {  	s3 =	sld [smem:$0x3FFE];
	_ =	sdelay $0x1  }
0x8a: {  	s1 =	srdreg.scid  }
0x8b: {  	s0 =	sand.u32 $0x1, s1  }
0x8c: {  	s18 =	sshll.u32 s0, $0xA;
	s2 =	sadd.s32 s3, s2  }
0x8d: {  	s2 =	sadd.s32 s2, s18  }
0x8e: {  	[smem:$0x3FC7] =	sst s2  }
0x8f: {  	_ = 	snop  }
0x90: {  	s2 =	sld [smem:$0x3FC9]  }
0x91: {  	s19 =	sld [smem:$0x3FD0];
	(tm) =	ssettm $0x1  }
0x92: {  	s4 =	sld [smem:$0x3FFB];
	_ =	sdelay $0x3  }
0x93: {  	_ =	strace s4  }
0x94: {  	s4 =	sld [smem:$0x3FFC];
	_ =	sdelay $0x3  }
0x95: {  	_ =	strace s4  }
0x96: {  	s4 =	sld [smem:$0x3FFD];
	_ =	sdelay $0x3  }
0x97: {  	_ =	strace s4  }
0x98: {  	_ =	strace $0x8FFFFFFF  }
0x99: {  	s20 =	sld [smem:$0x3FDB];
	_ =	sdelay $0x1  }
0x9a: {  	s5 =	simm.s32 $_scs_section_size  }
0x9b: {  	s6 =	simm.s32 $_size__tile_overlayer_lowered;
	s7 =	simm.s32 $_tile_overlayer_lowered  }
0x9c: {  	s23 =	simm.s32 $0x1BFF;
	s22 =	sshll.u32 s7, $0x1;
	s4 =	sadd.s32 s5, s20  }
0x9d: {  	s8 =	simm.s32 $0x0;
	s21 =	sshll.u32 s6, $0x1;
	s6 =	sadd.s32 s22, s4  }
0x9e: {  	[timem:s8], [sflag:s23] =	dma.local [hbm:s6], s21  }
0x9f: {  	_ =	swait.ge [sflag:s23], s21  }
0xa0: {  	s5 =	ssub.s32 $0x0, s21;
	[sflag:s23] =	ssyncset.done $0x0  }
0xa1: {  	[sflag:s23] =	ssyncadd.s32 s5;
	_ =	sdelay $0x1  }
0xa2: {  	s24 =	simm.s32 $0x1B8B  }
0xa3: {  	_ =	swait.ge [sflag:s24], $0x1  }
0xa4: {  	[sflag:s24] =	ssyncset.done $0x0  }
0xa5: {  	s25 =	simm.s32 $0x1B8E;
	[sflag:s24] =	ssyncadd.s32 $0xFFFFFFFF  }
0xa6: {  	s26 =	simm.s32 $execute0_lowered;
	[smem:$0x3FD2] =	sst s25  }
0xa7: {  	s5 =	sshll.u32 s26, $0x1;
	_ =	strace $0x80000046;
	[dreg:$0x1] =	wrdreg $0xFFFFFFFF  }
0xa8: {  	s28 =	simm.s32 $_size_execute0_lowered;
	s4 =	sadd.s32 s4, s5;
	[dreg:$0x0] =	wrdreg $0x0  }
0xa9: {  	s5 =	sshll.u32 s28, $0x1;
	[dreg:$0x2] =	wrdreg s4  }
0xaa: {  	[dreg:$0x3] =	wrdreg s5  }
0xab: {  	[dreg:$0x4] =	wrdreg $0xC0  }
0xac: {  	_ =	task [dreg:s8], $0x5FFFF  }
0xad: {  	[dreg:$0x1] =	wrdreg $0xFFFFFFFF  }
0xae: {  	[dreg:$0x0] =	wrdreg $0x60  }
0xaf: {  	[dreg:$0x2] =	wrdreg s2  }
0xb0: {  	[dreg:$0x3] =	wrdreg s19  }
0xb1: {  	[dreg:$0x4] =	wrdreg $0x9  }
0xb2: {  	_ =	task.clear_ibuf [dreg:s8], $0x5FFFF;
	_ =	strace $0x90000046  }
0xb3: {  	s29 =	simm.s32 $0x9;
	_ =	strace $0x80000048  }
0xb4: {  	_ =	swait.ge [sflag:s29], $0x1  }
0xb5: {  	[sflag:s29] =	ssyncadd.s32 $0xFFFFFFFF  }
0xb6: {  	_ =	strace $0x90000048  }
0xb7: {  	_ =	sfence  }
0xb8: {  	s30 =	sld [smem:$0x0];
	_ =	sdelay $0x2  }
0xb9: {  	s31 =	sshll.u32 s1, $0xD;
	s1 =	sshrl.u32 s1, $0x2  }
0xba: {  	s3 =	sand.u32 $0x4000, s31;
	s1 =	sadd.s32 s1, s30  }
0xbb: {  	s0 =	sor.u32 s3, s0;
	s1 =	sshll.u32 s1, $0x11  }
0xbc: {  	s0 =	sor.u32 s1, s0  }
0xbd: {  	s0 =	sadd.s32 $0x8F2B, s0  }
0xbe: {  	[sflag:s0] =	ssyncadd.remote.s32 $0x1  }
0xbf: {  	_ =	sfence.sel $0xFFFF  }
0xc0: {  	[dreg:$0x0] =	wrdreg $0xFFFFFFFF;
	(pc) =	sbr.abs _section_cstart, $3  }
0xc1: {  	[dreg:$0x1] =	wrdreg $0xFFFFFFFF  }
0xc2: {  	_ =	task.clear_ibuf [dreg:s8], $0x2FFFF;
	_ =	strace $0x9FFFFFFF  }
0xc3: {  	(tm) =	ssettm $0x7FFFFFFF  }
tec
execute0_lowered:
.L_overlay_start_1:
0x0: {  	(tag) =	ssettag $0x1  }
0x1: {  	s0 =	rddreg [dreg:$0x0]  }
0x2: {  	s1 =	srdreg.scid;
	s4 =	rddreg [dreg:$0x1]  }
0x3: {  	s2 =	stileid.u32;
	s5 =	simm.s32 $0x0;
	s1 =	sand.u32 $0x1, s1  }
0x4: {  	s28 =	simm.s32 $0x400;
	s2 =	sshll.u32 s2, $0x12;
	s3 =	sshll.u32 s1, $0x11  }
0x5: {  	s31 =	simm.s32 $0x10000;
	s6 =	simm.s32 $0x2;
	s3 =	sor.u32 s3, s2  }
0x6: {  	s29 =	simm.s32 $0x9;
	[smem:$0x7FF] =	sst s5;
	s8 =	sadd.s32 s0, s3  }
0x7: {  	_ =	strace $0x80000047;
	s26 =	sor.u32 $0x1000, s3;
	[dreg:$0x3] =	wrdreg s8  }
0x8: {  	s30 =	simm.s32 $0x6;
	s10 =	sadd.s32 $0x20, s8;
	[dreg:$0x14] =	wrdreg s26  }
0x9: {  	s22 =	smov.u32 s4;
	s11 =	sadd.s32 $0x40, s8;
	[dreg:$0x4] =	wrdreg s10  }
0xa: {  	s5 =	simm.s32 $0x16000;
	s12 =	sadd.s32 $0x60, s8;
	[dreg:$0x5] =	wrdreg s11  }
0xb: {  	s1 =	ssub.s32 $0x2, s1;
	s13 =	sadd.s32 $0x1000, s8;
	[dreg:$0x6] =	wrdreg s12  }
0xc: {  	s7 =	sshrl.u32 s1, $0x1;
	s14 =	sadd.s32 $0x1020, s8;
	[dreg:$0x7] =	wrdreg s13  }
0xd: {  	s2 =	simm.s32 $0x0;
	s15 =	sadd.s32 $0x1040, s8;
	[dreg:$0x8] =	wrdreg s14  }
0xe: {  	s9 =	ssub.s32 s1, s7;
	s16 =	sadd.s32 $0x1060, s8;
	[dreg:$0x9] =	wrdreg s15  }
0xf: {  	s1 =	simm.s32 $0x1;
	s17 =	sadd.s32 $0x2000, s8;
	[dreg:$0xa] =	wrdreg s16  }
0x10: {  	s7 =	simm.s32 $0xA;
	s18 =	sadd.s32 $0x2020, s8;
	[dreg:$0xb] =	wrdreg s17  }
0x11: {  	s19 =	sadd.s32 $0x2040, s8;
	s20 =	sadd.s32 $0x2060, s8;
	[dreg:$0xc] =	wrdreg s18  }
0x12: {  	s21 =	sadd.s32 $0x3000, s8;
	s23 =	sadd.s32 $0x3020, s8;
	[dreg:$0xd] =	wrdreg s19  }
0x13: {  	s24 =	sadd.s32 $0x3040, s8;
	s25 =	sadd.s32 $0x3060, s8;
	[dreg:$0xe] =	wrdreg s20  }
0x14: {  	s0 =	smax.u32 s9, $0x1;
	s26 =	simm.s32 $0x100;
	[dreg:$0xf] =	wrdreg s21  }
0x15: {  	s8 =	simm.s32 $0x12000;
	s9 =	simm.s32 $0x3;
	[dreg:$0x10] =	wrdreg s23  }
.Ltmp0:
0x16: {  	s14 =	sadd.s32 $0x20, s4;
	[dreg:$0x11] =	wrdreg s24;
	(pc) =	sbr.rel .LBB2_1-.Ltmp0, $4  }
0x17: {  	v0 =	vlaneseq.u32;
	s16 =	sadd.s32 $0x40, s4;
	s18 =	sadd.s32 $0x60, s4;
	[dreg:$0x12] =	wrdreg s25  }
0x18: {  	v0 =	vmul.u32 $0xFFFFFFFF, v0;
	[dreg:$0x13] =	wrdreg s0;
	s25 =	smov.u32 s3;
	s10 =	simm.s32 $0xB  }
0x19: {  	s11 =	simm.s32 $0x14000;
	s12 =	simm.s32 $0x4;
	s24 =	simm.s32 $0xC  }
0x1a: {  	v0 =	vadd.s32 $0xF, v0;
	s3 =	simm.s32 $0x5;
	s13 =	simm.s32 $0x7;
	s15 =	simm.s32 $0x8  }
.LBB2_48:
0x1b: {  	_ =	swait.ge [sflag:s29], $0x2000  }
0x1c: {  	[sflag:s29] =	ssyncset.done $0x0  }
0x1d: {  	[sflag:s29] =	ssyncadd.s32 $0xFFFFE000  }
0x1e: {  	_ =	swait.ge [sflag:s7], $0x2000  }
0x1f: {  	[sflag:s7] =	ssyncset.done $0x0  }
0x20: {  	[sflag:s7] =	ssyncadd.s32 $0xFFFFE000  }
0x21: {  	_ =	swait.ge [sflag:s10], $0x2000  }
0x22: {  	[sflag:s10] =	ssyncset.done $0x0  }
0x23: {  	[sflag:s10] =	ssyncadd.s32 $0xFFFFE000  }
0x24: {  	_ =	swait.ge [sflag:s24], $0x2000  }
0x25: {  	s2 =	rddreg [dreg:$0x15]  }
0x26: {  	s0 =	rddreg [dreg:$0x13];
	s2 =	sadd.s32 $0x1, s2  }
0x27: {  	p0 =	sne.s32 s2, s0  }
.Ltmp1:
0x28: {  	_ = 	snop;
	(pc) =	sbr.rel @!p0 .LBB2_49-.Ltmp1, $3  }
0x29: {  	_ =	sdelay $0x1  }
0x2a: {  	[sflag:s24] =	ssyncset.done $0x0  }
0x2b: {  	[sflag:s24] =	ssyncadd.s32 $0xFFFFE000  }
.LBB2_1:
0x2c: {  	[dreg:$0x15] =	wrdreg s2  }
0x2d: {  	s0 =	simm.s32 $0x0;
	s20 =	rddreg [dreg:$0x3]  }
0x2e: {  	[tilespmem:s0], [sflag:$0x1] =	stream.strided.gather [hbm4b:s20+s26], $0x2000, s28, s26, $0x38;
	[tilespmem:$0x18000] =	vst v63  }
0x2f: {  	s21 =	rddreg [dreg:$0x4];
	s23 =	simm.s32 $0x2000  }
0x30: {  	[tilespmem:s23], [sflag:$0x2] =	stream.strided.gather [hbm4b:s21+s26], $0x2000, s28, s26, $0x38;
	[tilespmem:$0x18000] =	vst v63  }
0x31: {  	s4 =	rddreg [dreg:$0x5];
	s17 =	simm.s32 $0x4000  }
0x32: {  	[tilespmem:s17], [sflag:$0x3] =	stream.strided.gather [hbm4b:s4+s26], $0x2000, s28, s26, $0x38;
	[tilespmem:$0x18000] =	vst v63  }
0x33: {  	s19 =	rddreg [dreg:$0x6];
	s20 =	simm.s32 $0x6000  }
0x34: {  	[tilespmem:s20], [sflag:$0x4] =	stream.strided.gather [hbm4b:s19+s26], $0x2000, s28, s26, $0x38;
	[tilespmem:$0x18000] =	vst v63  }
0x35: {  	s21 =	rddreg [dreg:$0x7];
	s23 =	simm.s32 $0x8000  }
0x36: {  	[tilespmem:s23], [sflag:$0x5] =	stream.strided.gather [hbm4b:s21+s26], $0x2000, s28, s26, $0x38;
	[tilespmem:$0x18000] =	vst v63  }
0x37: {  	s4 =	rddreg [dreg:$0x8];
	s17 =	simm.s32 $0xA000  }
0x38: {  	[tilespmem:s17], [sflag:$0x6] =	stream.strided.gather [hbm4b:s4+s26], $0x2000, s28, s26, $0x38;
	[tilespmem:$0x18000] =	vst v63  }
0x39: {  	s19 =	rddreg [dreg:$0x9];
	s20 =	simm.s32 $0xC000  }
0x3a: {  	[tilespmem:s20], [sflag:$0x7] =	stream.strided.gather [hbm4b:s19+s26], $0x2000, s28, s26, $0x38;
	[tilespmem:$0x18000] =	vst v63  }
0x3b: {  	s21 =	rddreg [dreg:$0xa];
	s23 =	simm.s32 $0xE000;
	s17 =	simm.s32 $0x0  }
0x3c: {  	[tilespmem:s23], [sflag:$0x8] =	stream.strided.gather [hbm4b:s21+s26], $0x2000, s28, s26, $0x38;
	[tilespmem:$0x18000] =	vst v63  }
.LBB2_2:
0x3d: {  	_ =	swait.ge [sflag:s1], $0x2000  }
0x3e: {  	p0 =	seq.s32 s17, $0x0;
	[sflag:s1] =	ssyncset.done $0x0  }
0x3f: {  	s0 =	simm.s32 @!p0 $0x9;
	[sflag:s1] =	ssyncadd.s32 $0xFFFFE000  }
0x40: {  	_ =	swait.ge @!p0 [sflag:s0], $0x2000  }
0x41: {  	[sflag:s0] =	ssyncset.done @!p0 $0x0  }
0x42: {  	s2 =	simm.s32 $0x1F70;
	[sflag:s0] =	ssyncadd.s32 @!p0 $0xFFFFE000  }
0x43: {  	v4 =	vld [tilespmem:s2+$0xFFFFFF90]  }
0x44: {  	v5 =	vld [tilespmem:s2+$0xFFFFFFF0]  }
0x45: {  	v7 =	vld [tilespmem:s2+$0xFFFFFFE0]  }
0x46: {  	v3 =	vld [tilespmem:s2+$0xFFFFFFD0]  }
0x47: {  	v2 =	vld [tilespmem:s2+$0xFFFFFFC0]  }
0x48: {  	v1 =	vld [tilespmem:s2+$0xFFFFFFB0];
	v8 =	vperm.xlane v4, v0  }
0x49: {  	s4 =	simm.s32 $0x10040;
	s19 =	simm.s32 $0x0;
	s20 =	simm.s32 $0x1E70;
	v4 =	vld [tilespmem:s2+$0xFFFFFFA0];
	v6 =	vperm.xlane v5, v0  }
0x4a: {  	s23 =	simm.s32 $0x1FF0;
	s0 =	sshll.u32 s17, $0xD;
	v5 =	vld [tilespmem:s2+$0x0];
	v7 =	vperm.xlane v7, v0;
	s2 =	simm.s32 $0x100F0;
	[tilespmem:s4+$0x30] =	vst v8  }
.LBB2_3:
0x4b: {  	v8 =	vld [tilespmem:s20+$0xFFFFFF90];
	s19 =	sadd.s32 $0x80, s19;
	[tilespmem:s4+$0xFFFFFFD0] =	vst v6;
	v3 =	vperm.xlane v3, v0  }
0x4c: {  	v6 =	vld [tilespmem:s20+$0xFFFFFFF0];
	p1 =	slt.u32 s19, $0xF80;
	[tilespmem:s4+$0xFFFFFFE0] =	vst v7;
	v2 =	vperm.xlane v2, v0  }
0x4d: {  	v7 =	vld [tilespmem:s20+$0xFFFFFFE0];
	[tilespmem:s4+$0xFFFFFFF0] =	vst v3;
	v1 =	vperm.xlane v1, v0  }
.Ltmp2:
0x4e: {  	v3 =	vld [tilespmem:s20+$0xFFFFFFD0];
	[tilespmem:s4+$0x0] =	vst v2;
	v4 =	vperm.xlane v4, v0;
	(pc) =	sbr.rel @p1 .LBB2_3-.Ltmp2, $4  }
0x4f: {  	v2 =	vld [tilespmem:s20+$0xFFFFFFC0];
	v5 =	vperm.xlane v5, v0;
	[tilespmem:s4+$0x10] =	vst v1  }
0x50: {  	v1 =	vld [tilespmem:s20+$0xFFFFFFB0];
	v8 =	vperm.xlane v8, v0;
	[tilespmem:s4+$0x20] =	vst v4  }
0x51: {  	v6 =	vperm.xlane v6, v0;
	v4 =	vld [tilespmem:s20+$0xFFFFFFA0];
	[tilespmem:s4+$0xFFFFFFC0] =	vst v5;
	s4 =	sadd.s32 $0x100, s4  }
0x52: {  	v5 =	vld [tilespmem:s20+$0x0];
	v7 =	vperm.xlane v7, v0;
	[tilespmem:s4+$0x30] =	vst v8;
	s20 =	sadd.s32 $0xFFFFFF00, s20  }
0x53: {  	[tilespmem:s4+$0xFFFFFFD0] =	vst v6;
	v3 =	vperm.xlane v3, v0  }
0x54: {  	[tilespmem:s4+$0xFFFFFFE0] =	vst v7;
	v2 =	vperm.xlane v2, v0  }
0x55: {  	[tilespmem:s4+$0xFFFFFFF0] =	vst v3;
	v1 =	vperm.xlane v1, v0  }
0x56: {  	[tilespmem:s4+$0x0] =	vst v2;
	v2 =	vperm.xlane v4, v0  }
0x57: {  	v3 =	vperm.xlane v5, v0;
	[tilespmem:s4+$0x10] =	vst v1  }
0x58: {  	[tilespmem:s4+$0x20] =	vst v2  }
0x59: {  	[tilespmem:s4+$0xFFFFFFC0] =	vst v3  }
0x5a: {  	v3 =	vld [tilespmem:s23+$0xFFFFFF90]  }
0x5b: {  	v5 =	vld [tilespmem:s23+$0xFFFFFFF0]  }
0x5c: {  	v7 =	vld [tilespmem:s23+$0xFFFFFFE0]  }
0x5d: {  	v4 =	vld [tilespmem:s23+$0xFFFFFFD0]  }
0x5e: {  	v2 =	vld [tilespmem:s23+$0xFFFFFFC0]  }
0x5f: {  	v1 =	vld [tilespmem:s23+$0xFFFFFFB0];
	v8 =	vperm.xlane v3, v0  }
0x60: {  	v3 =	vld [tilespmem:s23+$0xFFFFFFA0];
	v6 =	vperm.xlane v5, v0  }
0x61: {  	s19 =	simm.s32 $0x1EF0;
	s4 =	simm.s32 $0x0;
	v5 =	vld [tilespmem:s23+$0x0];
	v7 =	vperm.xlane v7, v0;
	[tilespmem:s2+$0x0] =	vst v8  }
.LBB2_5:
0x62: {  	v8 =	vld [tilespmem:s19+$0xFFFFFF90];
	s4 =	sadd.s32 $0x80, s4;
	[tilespmem:s2+$0xFFFFFFA0] =	vst v6;
	v4 =	vperm.xlane v4, v0  }
0x63: {  	v6 =	vld [tilespmem:s19+$0xFFFFFFF0];
	p1 =	slt.u32 s4, $0xF80;
	[tilespmem:s2+$0xFFFFFFB0] =	vst v7;
	v2 =	vperm.xlane v2, v0  }
0x64: {  	v7 =	vld [tilespmem:s19+$0xFFFFFFE0];
	[tilespmem:s2+$0xFFFFFFC0] =	vst v4;
	v1 =	vperm.xlane v1, v0  }
.Ltmp3:
0x65: {  	v4 =	vld [tilespmem:s19+$0xFFFFFFD0];
	[tilespmem:s2+$0xFFFFFFD0] =	vst v2;
	v3 =	vperm.xlane v3, v0;
	(pc) =	sbr.rel @p1 .LBB2_5-.Ltmp3, $4  }
0x66: {  	v2 =	vld [tilespmem:s19+$0xFFFFFFC0];
	v5 =	vperm.xlane v5, v0;
	[tilespmem:s2+$0xFFFFFFE0] =	vst v1  }
0x67: {  	v1 =	vld [tilespmem:s19+$0xFFFFFFB0];
	v8 =	vperm.xlane v8, v0;
	[tilespmem:s2+$0xFFFFFFF0] =	vst v3  }
0x68: {  	v6 =	vperm.xlane v6, v0;
	v3 =	vld [tilespmem:s19+$0xFFFFFFA0];
	[tilespmem:s2+$0xFFFFFF90] =	vst v5;
	s2 =	sadd.s32 $0x100, s2  }
0x69: {  	v5 =	vld [tilespmem:s19+$0x0];
	v7 =	vperm.xlane v7, v0;
	[tilespmem:s2+$0x0] =	vst v8;
	s19 =	sadd.s32 $0xFFFFFF00, s19  }
0x6a: {  	[tilespmem:s2+$0xFFFFFFA0] =	vst v6;
	v4 =	vperm.xlane v4, v0  }
0x6b: {  	[tilespmem:s2+$0xFFFFFFB0] =	vst v7;
	v2 =	vperm.xlane v2, v0  }
0x6c: {  	p1 =	sne.s32 s17, $0xF;
	[tilespmem:s2+$0xFFFFFFC0] =	vst v4;
	v1 =	vperm.xlane v1, v0  }
.Ltmp4:
0x6d: {  	[tilespmem:s2+$0xFFFFFFD0] =	vst v2;
	v2 =	vperm.xlane v3, v0;
	(pc) =	sbr.rel @p1 .LBB2_8-.Ltmp4, $4  }
0x6e: {  	v3 =	vperm.xlane v5, v0;
	[tilespmem:s2+$0xFFFFFFE0] =	vst v1  }
0x6f: {  	s23 =	sor.u32 s25, s0;
	[tilespmem:s2+$0xFFFFFFF0] =	vst v2  }
0x70: {  	s21 =	sadd.s32 s22, s23;
	[tilespmem:s2+$0xFFFFFF90] =	vst v3  }
0x71: {  	[hbm4b:s21+s26] =	stream.strided.scatter [tilespmem:s31], [sflag:$0x9], $0x2000, s28, s26, $0x38;
	[tilespmem:$0x18000] =	vst v63  }
.Ltmp5:
0x72: {  	(pc) =	sbr.rel .LBB2_9-.Ltmp5, $4  }
0x73: {  	_ = 	snop  }
0x74: {  	_ =	swait.ge [sflag:s6], $0x2000  }
0x75: {  	[sflag:s6] =	ssyncset.done $0x0  }
0x76: {  	[sflag:s6] =	ssyncadd.s32 $0xFFFFE000  }
.LBB2_8:
0x77: {  	s2 =	rddreg [dreg:$0xb]  }
.Ltmp6:
0x78: {  	s4 =	simm.s32 $0x0;
	s2 =	sadd.s32 s0, s2;
	(pc) =	sbr.rel @p0 .LBB2_10-.Ltmp6, $4  }
0x79: {  	[tilespmem:s4], [sflag:$0x1] =	stream.strided.gather [hbm4b:s2+s26], $0x2000, s28, s26, $0x38;
	[tilespmem:$0x18000] =	vst v63  }
0x7a: {  	_ =	swait.ge [sflag:s6], $0x2000  }
0x7b: {  	[sflag:s6] =	ssyncset.done $0x0  }
0x7c: {  	[sflag:s6] =	ssyncadd.s32 $0xFFFFE000  }
.LBB2_9:
0x7d: {  	_ =	swait.ge [sflag:s7], $0x2000  }
0x7e: {  	[sflag:s7] =	ssyncset.done $0x0  }
0x7f: {  	[sflag:s7] =	ssyncadd.s32 $0xFFFFE000  }
.LBB2_10:
0x80: {  	s2 =	simm.s32 $0x3F70  }
0x81: {  	v4 =	vld [tilespmem:s2+$0xFFFFFF90]  }
0x82: {  	v5 =	vld [tilespmem:s2+$0xFFFFFFF0]  }
0x83: {  	v7 =	vld [tilespmem:s2+$0xFFFFFFE0]  }
0x84: {  	v3 =	vld [tilespmem:s2+$0xFFFFFFD0]  }
0x85: {  	v2 =	vld [tilespmem:s2+$0xFFFFFFC0]  }
0x86: {  	v1 =	vld [tilespmem:s2+$0xFFFFFFB0];
	v8 =	vperm.xlane v4, v0  }
0x87: {  	s19 =	simm.s32 $0x12040;
	s20 =	simm.s32 $0x0;
	v4 =	vld [tilespmem:s2+$0xFFFFFFA0];
	v6 =	vperm.xlane v5, v0  }
0x88: {  	s21 =	simm.s32 $0x3E70;
	s4 =	simm.s32 $0x3FF0;
	v5 =	vld [tilespmem:s2+$0x0];
	v7 =	vperm.xlane v7, v0;
	s2 =	simm.s32 $0x120F0;
	[tilespmem:s19+$0x30] =	vst v8  }
.LBB2_11:
0x89: {  	v8 =	vld [tilespmem:s21+$0xFFFFFF90];
	s20 =	sadd.s32 $0x80, s20;
	[tilespmem:s19+$0xFFFFFFD0] =	vst v6;
	v3 =	vperm.xlane v3, v0  }
0x8a: {  	v6 =	vld [tilespmem:s21+$0xFFFFFFF0];
	p2 =	slt.u32 s20, $0xF80;
	[tilespmem:s19+$0xFFFFFFE0] =	vst v7;
	v2 =	vperm.xlane v2, v0  }
0x8b: {  	v7 =	vld [tilespmem:s21+$0xFFFFFFE0];
	[tilespmem:s19+$0xFFFFFFF0] =	vst v3;
	v1 =	vperm.xlane v1, v0  }
.Ltmp7:
0x8c: {  	v3 =	vld [tilespmem:s21+$0xFFFFFFD0];
	[tilespmem:s19+$0x0] =	vst v2;
	v4 =	vperm.xlane v4, v0;
	(pc) =	sbr.rel @p2 .LBB2_11-.Ltmp7, $4  }
0x8d: {  	v2 =	vld [tilespmem:s21+$0xFFFFFFC0];
	v5 =	vperm.xlane v5, v0;
	[tilespmem:s19+$0x10] =	vst v1  }
0x8e: {  	v1 =	vld [tilespmem:s21+$0xFFFFFFB0];
	v8 =	vperm.xlane v8, v0;
	[tilespmem:s19+$0x20] =	vst v4  }
0x8f: {  	v6 =	vperm.xlane v6, v0;
	v4 =	vld [tilespmem:s21+$0xFFFFFFA0];
	[tilespmem:s19+$0xFFFFFFC0] =	vst v5;
	s19 =	sadd.s32 $0x100, s19  }
0x90: {  	v5 =	vld [tilespmem:s21+$0x0];
	v7 =	vperm.xlane v7, v0;
	[tilespmem:s19+$0x30] =	vst v8;
	s21 =	sadd.s32 $0xFFFFFF00, s21  }
0x91: {  	[tilespmem:s19+$0xFFFFFFD0] =	vst v6;
	v3 =	vperm.xlane v3, v0  }
0x92: {  	[tilespmem:s19+$0xFFFFFFE0] =	vst v7;
	v2 =	vperm.xlane v2, v0  }
0x93: {  	[tilespmem:s19+$0xFFFFFFF0] =	vst v3;
	v1 =	vperm.xlane v1, v0  }
0x94: {  	[tilespmem:s19+$0x0] =	vst v2;
	v2 =	vperm.xlane v4, v0  }
0x95: {  	v3 =	vperm.xlane v5, v0;
	[tilespmem:s19+$0x10] =	vst v1  }
0x96: {  	[tilespmem:s19+$0x20] =	vst v2  }
0x97: {  	[tilespmem:s19+$0xFFFFFFC0] =	vst v3  }
0x98: {  	v3 =	vld [tilespmem:s4+$0xFFFFFF90]  }
0x99: {  	v5 =	vld [tilespmem:s4+$0xFFFFFFF0]  }
0x9a: {  	v7 =	vld [tilespmem:s4+$0xFFFFFFE0]  }
0x9b: {  	v4 =	vld [tilespmem:s4+$0xFFFFFFD0]  }
0x9c: {  	v2 =	vld [tilespmem:s4+$0xFFFFFFC0]  }
0x9d: {  	v1 =	vld [tilespmem:s4+$0xFFFFFFB0];
	v8 =	vperm.xlane v3, v0  }
0x9e: {  	v3 =	vld [tilespmem:s4+$0xFFFFFFA0];
	v6 =	vperm.xlane v5, v0  }
0x9f: {  	s19 =	simm.s32 $0x0;
	v5 =	vld [tilespmem:s4+$0x0];
	v7 =	vperm.xlane v7, v0;
	s4 =	simm.s32 $0x3EF0;
	[tilespmem:s2+$0x0] =	vst v8  }
.LBB2_13:
0xa0: {  	v8 =	vld [tilespmem:s4+$0xFFFFFF90];
	s19 =	sadd.s32 $0x80, s19;
	[tilespmem:s2+$0xFFFFFFA0] =	vst v6;
	v4 =	vperm.xlane v4, v0  }
0xa1: {  	v6 =	vld [tilespmem:s4+$0xFFFFFFF0];
	p2 =	slt.u32 s19, $0xF80;
	[tilespmem:s2+$0xFFFFFFB0] =	vst v7;
	v2 =	vperm.xlane v2, v0  }
0xa2: {  	v7 =	vld [tilespmem:s4+$0xFFFFFFE0];
	[tilespmem:s2+$0xFFFFFFC0] =	vst v4;
	v1 =	vperm.xlane v1, v0  }
.Ltmp8:
0xa3: {  	v4 =	vld [tilespmem:s4+$0xFFFFFFD0];
	[tilespmem:s2+$0xFFFFFFD0] =	vst v2;
	v3 =	vperm.xlane v3, v0;
	(pc) =	sbr.rel @p2 .LBB2_13-.Ltmp8, $4  }
0xa4: {  	v2 =	vld [tilespmem:s4+$0xFFFFFFC0];
	v5 =	vperm.xlane v5, v0;
	[tilespmem:s2+$0xFFFFFFE0] =	vst v1  }
0xa5: {  	v1 =	vld [tilespmem:s4+$0xFFFFFFB0];
	v8 =	vperm.xlane v8, v0;
	[tilespmem:s2+$0xFFFFFFF0] =	vst v3  }
0xa6: {  	v6 =	vperm.xlane v6, v0;
	v3 =	vld [tilespmem:s4+$0xFFFFFFA0];
	[tilespmem:s2+$0xFFFFFF90] =	vst v5;
	s2 =	sadd.s32 $0x100, s2  }
0xa7: {  	v5 =	vld [tilespmem:s4+$0x0];
	v7 =	vperm.xlane v7, v0;
	[tilespmem:s2+$0x0] =	vst v8;
	s4 =	sadd.s32 $0xFFFFFF00, s4  }
0xa8: {  	[tilespmem:s2+$0xFFFFFFA0] =	vst v6;
	v4 =	vperm.xlane v4, v0  }
0xa9: {  	[tilespmem:s2+$0xFFFFFFB0] =	vst v7;
	v2 =	vperm.xlane v2, v0  }
0xaa: {  	[tilespmem:s2+$0xFFFFFFC0] =	vst v4;
	v1 =	vperm.xlane v1, v0  }
.Ltmp9:
0xab: {  	[tilespmem:s2+$0xFFFFFFD0] =	vst v2;
	v2 =	vperm.xlane v3, v0;
	(pc) =	sbr.rel @p1 .LBB2_16-.Ltmp9, $4  }
0xac: {  	v3 =	vperm.xlane v5, v0;
	[tilespmem:s2+$0xFFFFFFE0] =	vst v1  }
0xad: {  	[tilespmem:s2+$0xFFFFFFF0] =	vst v2  }
0xae: {  	s21 =	sadd.s32 s23, s14;
	[tilespmem:s2+$0xFFFFFF90] =	vst v3  }
0xaf: {  	[hbm4b:s21+s26] =	stream.strided.scatter [tilespmem:s8], [sflag:$0xA], $0x2000, s28, s26, $0x38;
	[tilespmem:$0x18000] =	vst v63  }
.Ltmp10:
0xb0: {  	(pc) =	sbr.rel .LBB2_17-.Ltmp10, $4  }
0xb1: {  	_ = 	snop  }
0xb2: {  	_ =	swait.ge [sflag:s9], $0x2000  }
0xb3: {  	[sflag:s9] =	ssyncset.done $0x0  }
0xb4: {  	[sflag:s9] =	ssyncadd.s32 $0xFFFFE000  }
.LBB2_16:
0xb5: {  	s2 =	rddreg [dreg:$0xc]  }
.Ltmp11:
0xb6: {  	s4 =	simm.s32 $0x2000;
	s2 =	sadd.s32 s0, s2;
	(pc) =	sbr.rel @p0 .LBB2_18-.Ltmp11, $4  }
0xb7: {  	[tilespmem:s4], [sflag:$0x2] =	stream.strided.gather [hbm4b:s2+s26], $0x2000, s28, s26, $0x38;
	[tilespmem:$0x18000] =	vst v63  }
0xb8: {  	_ =	swait.ge [sflag:s9], $0x2000  }
0xb9: {  	[sflag:s9] =	ssyncset.done $0x0  }
0xba: {  	[sflag:s9] =	ssyncadd.s32 $0xFFFFE000  }
.LBB2_17:
0xbb: {  	_ =	swait.ge [sflag:s10], $0x2000  }
0xbc: {  	[sflag:s10] =	ssyncset.done $0x0  }
0xbd: {  	[sflag:s10] =	ssyncadd.s32 $0xFFFFE000  }
.LBB2_18:
0xbe: {  	s2 =	simm.s32 $0x5F70  }
0xbf: {  	v4 =	vld [tilespmem:s2+$0xFFFFFF90]  }
0xc0: {  	v5 =	vld [tilespmem:s2+$0xFFFFFFF0]  }
0xc1: {  	v7 =	vld [tilespmem:s2+$0xFFFFFFE0]  }
0xc2: {  	v3 =	vld [tilespmem:s2+$0xFFFFFFD0]  }
0xc3: {  	v2 =	vld [tilespmem:s2+$0xFFFFFFC0]  }
0xc4: {  	v1 =	vld [tilespmem:s2+$0xFFFFFFB0];
	v8 =	vperm.xlane v4, v0  }
0xc5: {  	s19 =	simm.s32 $0x14040;
	s20 =	simm.s32 $0x0;
	v4 =	vld [tilespmem:s2+$0xFFFFFFA0];
	v6 =	vperm.xlane v5, v0  }
0xc6: {  	s21 =	simm.s32 $0x5E70;
	s4 =	simm.s32 $0x5FF0;
	v5 =	vld [tilespmem:s2+$0x0];
	v7 =	vperm.xlane v7, v0;
	s2 =	simm.s32 $0x140F0;
	[tilespmem:s19+$0x30] =	vst v8  }
.LBB2_19:
0xc7: {  	v8 =	vld [tilespmem:s21+$0xFFFFFF90];
	s20 =	sadd.s32 $0x80, s20;
	[tilespmem:s19+$0xFFFFFFD0] =	vst v6;
	v3 =	vperm.xlane v3, v0  }
0xc8: {  	v6 =	vld [tilespmem:s21+$0xFFFFFFF0];
	p2 =	slt.u32 s20, $0xF80;
	[tilespmem:s19+$0xFFFFFFE0] =	vst v7;
	v2 =	vperm.xlane v2, v0  }
0xc9: {  	v7 =	vld [tilespmem:s21+$0xFFFFFFE0];
	[tilespmem:s19+$0xFFFFFFF0] =	vst v3;
	v1 =	vperm.xlane v1, v0  }
.Ltmp12:
0xca: {  	v3 =	vld [tilespmem:s21+$0xFFFFFFD0];
	[tilespmem:s19+$0x0] =	vst v2;
	v4 =	vperm.xlane v4, v0;
	(pc) =	sbr.rel @p2 .LBB2_19-.Ltmp12, $4  }
0xcb: {  	v2 =	vld [tilespmem:s21+$0xFFFFFFC0];
	v5 =	vperm.xlane v5, v0;
	[tilespmem:s19+$0x10] =	vst v1  }
0xcc: {  	v1 =	vld [tilespmem:s21+$0xFFFFFFB0];
	v8 =	vperm.xlane v8, v0;
	[tilespmem:s19+$0x20] =	vst v4  }
0xcd: {  	v6 =	vperm.xlane v6, v0;
	v4 =	vld [tilespmem:s21+$0xFFFFFFA0];
	[tilespmem:s19+$0xFFFFFFC0] =	vst v5;
	s19 =	sadd.s32 $0x100, s19  }
0xce: {  	v5 =	vld [tilespmem:s21+$0x0];
	v7 =	vperm.xlane v7, v0;
	[tilespmem:s19+$0x30] =	vst v8;
	s21 =	sadd.s32 $0xFFFFFF00, s21  }
0xcf: {  	[tilespmem:s19+$0xFFFFFFD0] =	vst v6;
	v3 =	vperm.xlane v3, v0  }
0xd0: {  	[tilespmem:s19+$0xFFFFFFE0] =	vst v7;
	v2 =	vperm.xlane v2, v0  }
0xd1: {  	[tilespmem:s19+$0xFFFFFFF0] =	vst v3;
	v1 =	vperm.xlane v1, v0  }
0xd2: {  	[tilespmem:s19+$0x0] =	vst v2;
	v2 =	vperm.xlane v4, v0  }
0xd3: {  	v3 =	vperm.xlane v5, v0;
	[tilespmem:s19+$0x10] =	vst v1  }
0xd4: {  	[tilespmem:s19+$0x20] =	vst v2  }
0xd5: {  	[tilespmem:s19+$0xFFFFFFC0] =	vst v3  }
0xd6: {  	v3 =	vld [tilespmem:s4+$0xFFFFFF90]  }
0xd7: {  	v5 =	vld [tilespmem:s4+$0xFFFFFFF0]  }
0xd8: {  	v7 =	vld [tilespmem:s4+$0xFFFFFFE0]  }
0xd9: {  	v4 =	vld [tilespmem:s4+$0xFFFFFFD0]  }
0xda: {  	v2 =	vld [tilespmem:s4+$0xFFFFFFC0]  }
0xdb: {  	v1 =	vld [tilespmem:s4+$0xFFFFFFB0];
	v8 =	vperm.xlane v3, v0  }
0xdc: {  	v3 =	vld [tilespmem:s4+$0xFFFFFFA0];
	v6 =	vperm.xlane v5, v0  }
0xdd: {  	s19 =	simm.s32 $0x0;
	v5 =	vld [tilespmem:s4+$0x0];
	v7 =	vperm.xlane v7, v0;
	s4 =	simm.s32 $0x5EF0;
	[tilespmem:s2+$0x0] =	vst v8  }
.LBB2_21:
0xde: {  	v8 =	vld [tilespmem:s4+$0xFFFFFF90];
	s19 =	sadd.s32 $0x80, s19;
	[tilespmem:s2+$0xFFFFFFA0] =	vst v6;
	v4 =	vperm.xlane v4, v0  }
0xdf: {  	v6 =	vld [tilespmem:s4+$0xFFFFFFF0];
	p2 =	slt.u32 s19, $0xF80;
	[tilespmem:s2+$0xFFFFFFB0] =	vst v7;
	v2 =	vperm.xlane v2, v0  }
0xe0: {  	v7 =	vld [tilespmem:s4+$0xFFFFFFE0];
	[tilespmem:s2+$0xFFFFFFC0] =	vst v4;
	v1 =	vperm.xlane v1, v0  }
.Ltmp13:
0xe1: {  	v4 =	vld [tilespmem:s4+$0xFFFFFFD0];
	[tilespmem:s2+$0xFFFFFFD0] =	vst v2;
	v3 =	vperm.xlane v3, v0;
	(pc) =	sbr.rel @p2 .LBB2_21-.Ltmp13, $4  }
0xe2: {  	v2 =	vld [tilespmem:s4+$0xFFFFFFC0];
	v5 =	vperm.xlane v5, v0;
	[tilespmem:s2+$0xFFFFFFE0] =	vst v1  }
0xe3: {  	v1 =	vld [tilespmem:s4+$0xFFFFFFB0];
	v8 =	vperm.xlane v8, v0;
	[tilespmem:s2+$0xFFFFFFF0] =	vst v3  }
0xe4: {  	v6 =	vperm.xlane v6, v0;
	v3 =	vld [tilespmem:s4+$0xFFFFFFA0];
	[tilespmem:s2+$0xFFFFFF90] =	vst v5;
	s2 =	sadd.s32 $0x100, s2  }
0xe5: {  	v5 =	vld [tilespmem:s4+$0x0];
	v7 =	vperm.xlane v7, v0;
	[tilespmem:s2+$0x0] =	vst v8;
	s4 =	sadd.s32 $0xFFFFFF00, s4  }
0xe6: {  	[tilespmem:s2+$0xFFFFFFA0] =	vst v6;
	v4 =	vperm.xlane v4, v0  }
0xe7: {  	[tilespmem:s2+$0xFFFFFFB0] =	vst v7;
	v2 =	vperm.xlane v2, v0  }
0xe8: {  	[tilespmem:s2+$0xFFFFFFC0] =	vst v4;
	v1 =	vperm.xlane v1, v0  }
.Ltmp14:
0xe9: {  	[tilespmem:s2+$0xFFFFFFD0] =	vst v2;
	v2 =	vperm.xlane v3, v0;
	(pc) =	sbr.rel @p1 .LBB2_24-.Ltmp14, $4  }
0xea: {  	v3 =	vperm.xlane v5, v0;
	[tilespmem:s2+$0xFFFFFFE0] =	vst v1  }
0xeb: {  	[tilespmem:s2+$0xFFFFFFF0] =	vst v2  }
0xec: {  	s21 =	sadd.s32 s23, s16;
	[tilespmem:s2+$0xFFFFFF90] =	vst v3  }
0xed: {  	[hbm4b:s21+s26] =	stream.strided.scatter [tilespmem:s11], [sflag:$0xB], $0x2000, s28, s26, $0x38;
	[tilespmem:$0x18000] =	vst v63  }
.Ltmp15:
0xee: {  	(pc) =	sbr.rel .LBB2_25-.Ltmp15, $4  }
0xef: {  	_ = 	snop  }
0xf0: {  	_ =	swait.ge [sflag:s12], $0x2000  }
0xf1: {  	[sflag:s12] =	ssyncset.done $0x0  }
0xf2: {  	[sflag:s12] =	ssyncadd.s32 $0xFFFFE000  }
.LBB2_24:
0xf3: {  	s2 =	rddreg [dreg:$0xd]  }
.Ltmp16:
0xf4: {  	s4 =	simm.s32 $0x4000;
	s2 =	sadd.s32 s0, s2;
	(pc) =	sbr.rel @p0 .LBB2_26-.Ltmp16, $4  }
0xf5: {  	[tilespmem:s4], [sflag:$0x3] =	stream.strided.gather [hbm4b:s2+s26], $0x2000, s28, s26, $0x38;
	[tilespmem:$0x18000] =	vst v63  }
0xf6: {  	_ =	swait.ge [sflag:s12], $0x2000  }
0xf7: {  	[sflag:s12] =	ssyncset.done $0x0  }
0xf8: {  	[sflag:s12] =	ssyncadd.s32 $0xFFFFE000  }
.LBB2_25:
0xf9: {  	_ =	swait.ge [sflag:s24], $0x2000  }
0xfa: {  	[sflag:s24] =	ssyncset.done $0x0  }
0xfb: {  	[sflag:s24] =	ssyncadd.s32 $0xFFFFE000  }
.LBB2_26:
0xfc: {  	s2 =	simm.s32 $0x7F70  }
0xfd: {  	v4 =	vld [tilespmem:s2+$0xFFFFFF90]  }
0xfe: {  	v5 =	vld [tilespmem:s2+$0xFFFFFFF0]  }
0xff: {  	v7 =	vld [tilespmem:s2+$0xFFFFFFE0]  }
0x100: {  	v3 =	vld [tilespmem:s2+$0xFFFFFFD0]  }
0x101: {  	v2 =	vld [tilespmem:s2+$0xFFFFFFC0]  }
0x102: {  	v1 =	vld [tilespmem:s2+$0xFFFFFFB0];
	v8 =	vperm.xlane v4, v0  }
0x103: {  	s19 =	simm.s32 $0x16040;
	s20 =	simm.s32 $0x0;
	v4 =	vld [tilespmem:s2+$0xFFFFFFA0];
	v6 =	vperm.xlane v5, v0  }
0x104: {  	s21 =	simm.s32 $0x7E70;
	s4 =	simm.s32 $0x7FF0;
	v5 =	vld [tilespmem:s2+$0x0];
	v7 =	vperm.xlane v7, v0;
	s2 =	simm.s32 $0x160F0;
	[tilespmem:s19+$0x30] =	vst v8  }
.LBB2_27:
0x105: {  	v8 =	vld [tilespmem:s21+$0xFFFFFF90];
	s20 =	sadd.s32 $0x80, s20;
	[tilespmem:s19+$0xFFFFFFD0] =	vst v6;
	v3 =	vperm.xlane v3, v0  }
0x106: {  	v6 =	vld [tilespmem:s21+$0xFFFFFFF0];
	p0 =	slt.u32 s20, $0xF80;
	[tilespmem:s19+$0xFFFFFFE0] =	vst v7;
	v2 =	vperm.xlane v2, v0  }
0x107: {  	v7 =	vld [tilespmem:s21+$0xFFFFFFE0];
	[tilespmem:s19+$0xFFFFFFF0] =	vst v3;
	v1 =	vperm.xlane v1, v0  }
.Ltmp17:
0x108: {  	v3 =	vld [tilespmem:s21+$0xFFFFFFD0];
	[tilespmem:s19+$0x0] =	vst v2;
	v4 =	vperm.xlane v4, v0;
	(pc) =	sbr.rel @p0 .LBB2_27-.Ltmp17, $4  }
0x109: {  	v2 =	vld [tilespmem:s21+$0xFFFFFFC0];
	v5 =	vperm.xlane v5, v0;
	[tilespmem:s19+$0x10] =	vst v1  }
0x10a: {  	v1 =	vld [tilespmem:s21+$0xFFFFFFB0];
	v8 =	vperm.xlane v8, v0;
	[tilespmem:s19+$0x20] =	vst v4  }
0x10b: {  	v6 =	vperm.xlane v6, v0;
	v4 =	vld [tilespmem:s21+$0xFFFFFFA0];
	[tilespmem:s19+$0xFFFFFFC0] =	vst v5;
	s19 =	sadd.s32 $0x100, s19  }
0x10c: {  	v5 =	vld [tilespmem:s21+$0x0];
	v7 =	vperm.xlane v7, v0;
	[tilespmem:s19+$0x30] =	vst v8;
	s21 =	sadd.s32 $0xFFFFFF00, s21  }
0x10d: {  	[tilespmem:s19+$0xFFFFFFD0] =	vst v6;
	v3 =	vperm.xlane v3, v0  }
0x10e: {  	[tilespmem:s19+$0xFFFFFFE0] =	vst v7;
	v2 =	vperm.xlane v2, v0  }
0x10f: {  	[tilespmem:s19+$0xFFFFFFF0] =	vst v3;
	v1 =	vperm.xlane v1, v0  }
0x110: {  	[tilespmem:s19+$0x0] =	vst v2;
	v2 =	vperm.xlane v4, v0  }
0x111: {  	v3 =	vperm.xlane v5, v0;
	[tilespmem:s19+$0x10] =	vst v1  }
0x112: {  	[tilespmem:s19+$0x20] =	vst v2  }
0x113: {  	[tilespmem:s19+$0xFFFFFFC0] =	vst v3  }
0x114: {  	v3 =	vld [tilespmem:s4+$0xFFFFFF90]  }
0x115: {  	v5 =	vld [tilespmem:s4+$0xFFFFFFF0]  }
0x116: {  	v7 =	vld [tilespmem:s4+$0xFFFFFFE0]  }
0x117: {  	v4 =	vld [tilespmem:s4+$0xFFFFFFD0]  }
0x118: {  	v2 =	vld [tilespmem:s4+$0xFFFFFFC0]  }
0x119: {  	v1 =	vld [tilespmem:s4+$0xFFFFFFB0];
	v8 =	vperm.xlane v3, v0  }
0x11a: {  	v3 =	vld [tilespmem:s4+$0xFFFFFFA0];
	v6 =	vperm.xlane v5, v0  }
0x11b: {  	s19 =	simm.s32 $0x0;
	v5 =	vld [tilespmem:s4+$0x0];
	v7 =	vperm.xlane v7, v0;
	s4 =	simm.s32 $0x7EF0;
	[tilespmem:s2+$0x0] =	vst v8  }
.LBB2_29:
0x11c: {  	v8 =	vld [tilespmem:s4+$0xFFFFFF90];
	s19 =	sadd.s32 $0x80, s19;
	[tilespmem:s2+$0xFFFFFFA0] =	vst v6;
	v4 =	vperm.xlane v4, v0  }
0x11d: {  	v6 =	vld [tilespmem:s4+$0xFFFFFFF0];
	p0 =	slt.u32 s19, $0xF80;
	[tilespmem:s2+$0xFFFFFFB0] =	vst v7;
	v2 =	vperm.xlane v2, v0  }
0x11e: {  	v7 =	vld [tilespmem:s4+$0xFFFFFFE0];
	[tilespmem:s2+$0xFFFFFFC0] =	vst v4;
	v1 =	vperm.xlane v1, v0  }
.Ltmp18:
0x11f: {  	v4 =	vld [tilespmem:s4+$0xFFFFFFD0];
	[tilespmem:s2+$0xFFFFFFD0] =	vst v2;
	v3 =	vperm.xlane v3, v0;
	(pc) =	sbr.rel @p0 .LBB2_29-.Ltmp18, $4  }
0x120: {  	v2 =	vld [tilespmem:s4+$0xFFFFFFC0];
	v5 =	vperm.xlane v5, v0;
	[tilespmem:s2+$0xFFFFFFE0] =	vst v1  }
0x121: {  	v1 =	vld [tilespmem:s4+$0xFFFFFFB0];
	v8 =	vperm.xlane v8, v0;
	[tilespmem:s2+$0xFFFFFFF0] =	vst v3  }
0x122: {  	v6 =	vperm.xlane v6, v0;
	v3 =	vld [tilespmem:s4+$0xFFFFFFA0];
	[tilespmem:s2+$0xFFFFFF90] =	vst v5;
	s2 =	sadd.s32 $0x100, s2  }
0x123: {  	v5 =	vld [tilespmem:s4+$0x0];
	v7 =	vperm.xlane v7, v0;
	[tilespmem:s2+$0x0] =	vst v8;
	s4 =	sadd.s32 $0xFFFFFF00, s4  }
0x124: {  	[tilespmem:s2+$0xFFFFFFA0] =	vst v6;
	v4 =	vperm.xlane v4, v0  }
0x125: {  	[tilespmem:s2+$0xFFFFFFB0] =	vst v7;
	v2 =	vperm.xlane v2, v0  }
0x126: {  	[tilespmem:s2+$0xFFFFFFC0] =	vst v4;
	v1 =	vperm.xlane v1, v0  }
0x127: {  	[tilespmem:s2+$0xFFFFFFD0] =	vst v2;
	v2 =	vperm.xlane v3, v0  }
0x128: {  	v3 =	vperm.xlane v5, v0;
	[tilespmem:s2+$0xFFFFFFE0] =	vst v1  }
0x129: {  	[tilespmem:s2+$0xFFFFFFF0] =	vst v2  }
0x12a: {  	p0 =	seq.s32 s17, $0xF;
	s21 =	sadd.s32 s23, s18;
	[tilespmem:s2+$0xFFFFFF90] =	vst v3  }
0x12b: {  	[hbm4b:s21+s26] =	stream.strided.scatter [tilespmem:s5], [sflag:$0xC], $0x2000, s28, s26, $0x38;
	[tilespmem:$0x18000] =	vst v63  }
0x12c: {  	s4 =	simm.s32 @!p0 $0x100;
	s2 =	rddreg [dreg:$0xe]  }
0x12d: {  	s19 =	simm.s32 @!p0 $0x400;
	s20 =	simm.s32 @!p0 $0x6000;
	s2 =	sadd.s32 @!p0 s0, s2  }
0x12e: {  	[tilespmem:s20], [sflag:$0x4] =	stream.strided.gather @!p0 [hbm4b:s2+s4], $0x2000, s19, s4, $0x38;
	[tilespmem:$0x18000] =	vst v63  }
0x12f: {  	_ =	swait.ge [sflag:s3], $0x2000  }
0x130: {  	[sflag:s3] =	ssyncset.done $0x0  }
0x131: {  	[sflag:s3] =	ssyncadd.s32 $0xFFFFE000  }
0x132: {  	_ =	swait.ge [sflag:s29], $0x2000  }
0x133: {  	[sflag:s29] =	ssyncset.done $0x0  }
0x134: {  	s23 =	simm.s32 $0x9F70;
	[sflag:s29] =	ssyncadd.s32 $0xFFFFE000  }
0x135: {  	v3 =	vld [tilespmem:s23+$0xFFFFFF90]  }
0x136: {  	v5 =	vld [tilespmem:s23+$0xFFFFFFF0]  }
0x137: {  	v7 =	vld [tilespmem:s23+$0xFFFFFFE0]  }
0x138: {  	v4 =	vld [tilespmem:s23+$0xFFFFFFD0]  }
0x139: {  	v2 =	vld [tilespmem:s23+$0xFFFFFFC0]  }
0x13a: {  	v1 =	vld [tilespmem:s23+$0xFFFFFFB0];
	v8 =	vperm.xlane v3, v0  }
0x13b: {  	s19 =	simm.s32 $0x10040;
	v3 =	vld [tilespmem:s23+$0xFFFFFFA0];
	v6 =	vperm.xlane v5, v0  }
0x13c: {  	s21 =	simm.s32 $0x9E70;
	s20 =	simm.s32 $0x0;
	s4 =	simm.s32 $0x9FF0;
	v5 =	vld [tilespmem:s23+$0x0];
	v7 =	vperm.xlane v7, v0;
	[tilespmem:s19+$0x30] =	vst v8  }
.LBB2_31:
0x13d: {  	v8 =	vld [tilespmem:s21+$0xFFFFFF90];
	s20 =	sadd.s32 $0x80, s20;
	[tilespmem:s19+$0xFFFFFFD0] =	vst v6;
	v4 =	vperm.xlane v4, v0  }
0x13e: {  	v6 =	vld [tilespmem:s21+$0xFFFFFFF0];
	p1 =	slt.u32 s20, $0xF80;
	[tilespmem:s19+$0xFFFFFFE0] =	vst v7;
	v2 =	vperm.xlane v2, v0  }
0x13f: {  	v7 =	vld [tilespmem:s21+$0xFFFFFFE0];
	[tilespmem:s19+$0xFFFFFFF0] =	vst v4;
	v1 =	vperm.xlane v1, v0  }
.Ltmp19:
0x140: {  	v4 =	vld [tilespmem:s21+$0xFFFFFFD0];
	[tilespmem:s19+$0x0] =	vst v2;
	v3 =	vperm.xlane v3, v0;
	(pc) =	sbr.rel @p1 .LBB2_31-.Ltmp19, $4  }
0x141: {  	v2 =	vld [tilespmem:s21+$0xFFFFFFC0];
	v5 =	vperm.xlane v5, v0;
	[tilespmem:s19+$0x10] =	vst v1  }
0x142: {  	v1 =	vld [tilespmem:s21+$0xFFFFFFB0];
	v8 =	vperm.xlane v8, v0;
	[tilespmem:s19+$0x20] =	vst v3  }
0x143: {  	v6 =	vperm.xlane v6, v0;
	v3 =	vld [tilespmem:s21+$0xFFFFFFA0];
	[tilespmem:s19+$0xFFFFFFC0] =	vst v5;
	s19 =	sadd.s32 $0x100, s19  }
0x144: {  	s2 =	simm.s32 $0x100F0;
	v5 =	vld [tilespmem:s21+$0x0];
	v7 =	vperm.xlane v7, v0;
	[tilespmem:s19+$0x30] =	vst v8;
	s21 =	sadd.s32 $0xFFFFFF00, s21  }
0x145: {  	[tilespmem:s19+$0xFFFFFFD0] =	vst v6;
	v4 =	vperm.xlane v4, v0  }
0x146: {  	[tilespmem:s19+$0xFFFFFFE0] =	vst v7;
	v2 =	vperm.xlane v2, v0  }
0x147: {  	[tilespmem:s19+$0xFFFFFFF0] =	vst v4;
	v1 =	vperm.xlane v1, v0  }
0x148: {  	[tilespmem:s19+$0x0] =	vst v2;
	v2 =	vperm.xlane v3, v0  }
0x149: {  	v3 =	vperm.xlane v5, v0;
	[tilespmem:s19+$0x10] =	vst v1  }
0x14a: {  	[tilespmem:s19+$0x20] =	vst v2  }
0x14b: {  	[tilespmem:s19+$0xFFFFFFC0] =	vst v3  }
0x14c: {  	v3 =	vld [tilespmem:s4+$0xFFFFFF90]  }
0x14d: {  	v5 =	vld [tilespmem:s4+$0xFFFFFFF0]  }
0x14e: {  	v7 =	vld [tilespmem:s4+$0xFFFFFFE0]  }
0x14f: {  	v4 =	vld [tilespmem:s4+$0xFFFFFFD0]  }
0x150: {  	v2 =	vld [tilespmem:s4+$0xFFFFFFC0]  }
0x151: {  	v1 =	vld [tilespmem:s4+$0xFFFFFFB0];
	v8 =	vperm.xlane v3, v0  }
0x152: {  	v3 =	vld [tilespmem:s4+$0xFFFFFFA0];
	v6 =	vperm.xlane v5, v0  }
0x153: {  	s19 =	simm.s32 $0x0;
	v5 =	vld [tilespmem:s4+$0x0];
	v7 =	vperm.xlane v7, v0;
	s4 =	simm.s32 $0x9EF0;
	[tilespmem:s2+$0x0] =	vst v8  }
.LBB2_33:
0x154: {  	v8 =	vld [tilespmem:s4+$0xFFFFFF90];
	s19 =	sadd.s32 $0x80, s19;
	[tilespmem:s2+$0xFFFFFFA0] =	vst v6;
	v4 =	vperm.xlane v4, v0  }
0x155: {  	v6 =	vld [tilespmem:s4+$0xFFFFFFF0];
	p1 =	slt.u32 s19, $0xF80;
	[tilespmem:s2+$0xFFFFFFB0] =	vst v7;
	v2 =	vperm.xlane v2, v0  }
0x156: {  	v7 =	vld [tilespmem:s4+$0xFFFFFFE0];
	[tilespmem:s2+$0xFFFFFFC0] =	vst v4;
	v1 =	vperm.xlane v1, v0  }
.Ltmp20:
0x157: {  	v4 =	vld [tilespmem:s4+$0xFFFFFFD0];
	[tilespmem:s2+$0xFFFFFFD0] =	vst v2;
	v3 =	vperm.xlane v3, v0;
	(pc) =	sbr.rel @p1 .LBB2_33-.Ltmp20, $4  }
0x158: {  	v2 =	vld [tilespmem:s4+$0xFFFFFFC0];
	v5 =	vperm.xlane v5, v0;
	[tilespmem:s2+$0xFFFFFFE0] =	vst v1  }
0x159: {  	v1 =	vld [tilespmem:s4+$0xFFFFFFB0];
	v8 =	vperm.xlane v8, v0;
	[tilespmem:s2+$0xFFFFFFF0] =	vst v3  }
0x15a: {  	v6 =	vperm.xlane v6, v0;
	v3 =	vld [tilespmem:s4+$0xFFFFFFA0];
	[tilespmem:s2+$0xFFFFFF90] =	vst v5;
	s2 =	sadd.s32 $0x100, s2  }
0x15b: {  	v5 =	vld [tilespmem:s4+$0x0];
	v7 =	vperm.xlane v7, v0;
	[tilespmem:s2+$0x0] =	vst v8;
	s4 =	sadd.s32 $0xFFFFFF00, s4  }
0x15c: {  	[tilespmem:s2+$0xFFFFFFA0] =	vst v6;
	v4 =	vperm.xlane v4, v0  }
0x15d: {  	[tilespmem:s2+$0xFFFFFFB0] =	vst v7;
	v2 =	vperm.xlane v2, v0  }
0x15e: {  	[tilespmem:s2+$0xFFFFFFC0] =	vst v4;
	v1 =	vperm.xlane v1, v0  }
0x15f: {  	[tilespmem:s2+$0xFFFFFFD0] =	vst v2;
	v2 =	vperm.xlane v3, v0  }
0x160: {  	[tilespmem:s2+$0xFFFFFFE0] =	vst v1  }
0x161: {  	v3 =	vperm.xlane v5, v0;
	[tilespmem:s2+$0xFFFFFFF0] =	vst v2  }
0x162: {  	s4 =	rddreg [dreg:$0x14]  }
0x163: {  	[tilespmem:s2+$0xFFFFFF90] =	vst v3;
	s23 =	sadd.s32 s4, s0  }
0x164: {  	s19 =	simm.s32 @!p0 $0x400;
	s2 =	rddreg [dreg:$0xf];
	s20 =	sadd.s32 s22, s23  }
0x165: {  	[hbm4b:s20+s26] =	stream.strided.scatter [tilespmem:s31], [sflag:$0x9], $0x2000, s28, s26, $0x38;
	[tilespmem:$0x18000] =	vst v63  }
0x166: {  	s4 =	simm.s32 @!p0 $0x100;
	s2 =	sadd.s32 @!p0 s0, s2;
	s20 =	simm.s32 @!p0 $0x8000  }
0x167: {  	[tilespmem:s20], [sflag:$0x5] =	stream.strided.gather @!p0 [hbm4b:s2+s4], $0x2000, s19, s4, $0x38;
	[tilespmem:$0x18000] =	vst v63  }
0x168: {  	_ =	swait.ge [sflag:s30], $0x2000  }
0x169: {  	[sflag:s30] =	ssyncset.done $0x0  }
0x16a: {  	[sflag:s30] =	ssyncadd.s32 $0xFFFFE000  }
0x16b: {  	_ =	swait.ge [sflag:s7], $0x2000  }
0x16c: {  	[sflag:s7] =	ssyncset.done $0x0  }
0x16d: {  	s21 =	simm.s32 $0xBF70;
	[sflag:s7] =	ssyncadd.s32 $0xFFFFE000  }
0x16e: {  	v3 =	vld [tilespmem:s21+$0xFFFFFF90]  }
0x16f: {  	v5 =	vld [tilespmem:s21+$0xFFFFFFF0]  }
0x170: {  	v7 =	vld [tilespmem:s21+$0xFFFFFFE0]  }
0x171: {  	v4 =	vld [tilespmem:s21+$0xFFFFFFD0]  }
0x172: {  	v2 =	vld [tilespmem:s21+$0xFFFFFFC0]  }
0x173: {  	v1 =	vld [tilespmem:s21+$0xFFFFFFB0];
	v8 =	vperm.xlane v3, v0  }
0x174: {  	s19 =	simm.s32 $0x12040;
	v3 =	vld [tilespmem:s21+$0xFFFFFFA0];
	v6 =	vperm.xlane v5, v0  }
0x175: {  	s20 =	simm.s32 $0x0;
	s4 =	simm.s32 $0xBFF0;
	v5 =	vld [tilespmem:s21+$0x0];
	v7 =	vperm.xlane v7, v0;
	s21 =	simm.s32 $0xBE70;
	[tilespmem:s19+$0x30] =	vst v8  }
.LBB2_35:
0x176: {  	v8 =	vld [tilespmem:s21+$0xFFFFFF90];
	s20 =	sadd.s32 $0x80, s20;
	[tilespmem:s19+$0xFFFFFFD0] =	vst v6;
	v4 =	vperm.xlane v4, v0  }
0x177: {  	v6 =	vld [tilespmem:s21+$0xFFFFFFF0];
	p1 =	slt.u32 s20, $0xF80;
	[tilespmem:s19+$0xFFFFFFE0] =	vst v7;
	v2 =	vperm.xlane v2, v0  }
0x178: {  	v7 =	vld [tilespmem:s21+$0xFFFFFFE0];
	[tilespmem:s19+$0xFFFFFFF0] =	vst v4;
	v1 =	vperm.xlane v1, v0  }
.Ltmp21:
0x179: {  	v4 =	vld [tilespmem:s21+$0xFFFFFFD0];
	[tilespmem:s19+$0x0] =	vst v2;
	v3 =	vperm.xlane v3, v0;
	(pc) =	sbr.rel @p1 .LBB2_35-.Ltmp21, $4  }
0x17a: {  	v2 =	vld [tilespmem:s21+$0xFFFFFFC0];
	v5 =	vperm.xlane v5, v0;
	[tilespmem:s19+$0x10] =	vst v1  }
0x17b: {  	v1 =	vld [tilespmem:s21+$0xFFFFFFB0];
	v8 =	vperm.xlane v8, v0;
	[tilespmem:s19+$0x20] =	vst v3  }
0x17c: {  	v6 =	vperm.xlane v6, v0;
	v3 =	vld [tilespmem:s21+$0xFFFFFFA0];
	[tilespmem:s19+$0xFFFFFFC0] =	vst v5;
	s19 =	sadd.s32 $0x100, s19  }
0x17d: {  	s2 =	simm.s32 $0x120F0;
	v5 =	vld [tilespmem:s21+$0x0];
	v7 =	vperm.xlane v7, v0;
	[tilespmem:s19+$0x30] =	vst v8;
	s21 =	sadd.s32 $0xFFFFFF00, s21  }
0x17e: {  	[tilespmem:s19+$0xFFFFFFD0] =	vst v6;
	v4 =	vperm.xlane v4, v0  }
0x17f: {  	[tilespmem:s19+$0xFFFFFFE0] =	vst v7;
	v2 =	vperm.xlane v2, v0  }
0x180: {  	[tilespmem:s19+$0xFFFFFFF0] =	vst v4;
	v1 =	vperm.xlane v1, v0  }
0x181: {  	[tilespmem:s19+$0x0] =	vst v2;
	v2 =	vperm.xlane v3, v0  }
0x182: {  	v3 =	vperm.xlane v5, v0;
	[tilespmem:s19+$0x10] =	vst v1  }
0x183: {  	[tilespmem:s19+$0x20] =	vst v2  }
0x184: {  	[tilespmem:s19+$0xFFFFFFC0] =	vst v3  }
0x185: {  	v3 =	vld [tilespmem:s4+$0xFFFFFF90]  }
0x186: {  	v5 =	vld [tilespmem:s4+$0xFFFFFFF0]  }
0x187: {  	v7 =	vld [tilespmem:s4+$0xFFFFFFE0]  }
0x188: {  	v4 =	vld [tilespmem:s4+$0xFFFFFFD0]  }
0x189: {  	v2 =	vld [tilespmem:s4+$0xFFFFFFC0]  }
0x18a: {  	v1 =	vld [tilespmem:s4+$0xFFFFFFB0];
	v8 =	vperm.xlane v3, v0  }
0x18b: {  	v3 =	vld [tilespmem:s4+$0xFFFFFFA0];
	v6 =	vperm.xlane v5, v0  }
0x18c: {  	s19 =	simm.s32 $0x0;
	v5 =	vld [tilespmem:s4+$0x0];
	v7 =	vperm.xlane v7, v0;
	s4 =	simm.s32 $0xBEF0;
	[tilespmem:s2+$0x0] =	vst v8  }
.LBB2_37:
0x18d: {  	v8 =	vld [tilespmem:s4+$0xFFFFFF90];
	s19 =	sadd.s32 $0x80, s19;
	[tilespmem:s2+$0xFFFFFFA0] =	vst v6;
	v4 =	vperm.xlane v4, v0  }
0x18e: {  	v6 =	vld [tilespmem:s4+$0xFFFFFFF0];
	p1 =	slt.u32 s19, $0xF80;
	[tilespmem:s2+$0xFFFFFFB0] =	vst v7;
	v2 =	vperm.xlane v2, v0  }
0x18f: {  	v7 =	vld [tilespmem:s4+$0xFFFFFFE0];
	[tilespmem:s2+$0xFFFFFFC0] =	vst v4;
	v1 =	vperm.xlane v1, v0  }
.Ltmp22:
0x190: {  	v4 =	vld [tilespmem:s4+$0xFFFFFFD0];
	[tilespmem:s2+$0xFFFFFFD0] =	vst v2;
	v3 =	vperm.xlane v3, v0;
	(pc) =	sbr.rel @p1 .LBB2_37-.Ltmp22, $4  }
0x191: {  	v2 =	vld [tilespmem:s4+$0xFFFFFFC0];
	v5 =	vperm.xlane v5, v0;
	[tilespmem:s2+$0xFFFFFFE0] =	vst v1  }
0x192: {  	v1 =	vld [tilespmem:s4+$0xFFFFFFB0];
	v8 =	vperm.xlane v8, v0;
	[tilespmem:s2+$0xFFFFFFF0] =	vst v3  }
0x193: {  	v6 =	vperm.xlane v6, v0;
	v3 =	vld [tilespmem:s4+$0xFFFFFFA0];
	[tilespmem:s2+$0xFFFFFF90] =	vst v5;
	s2 =	sadd.s32 $0x100, s2  }
0x194: {  	v5 =	vld [tilespmem:s4+$0x0];
	v7 =	vperm.xlane v7, v0;
	[tilespmem:s2+$0x0] =	vst v8;
	s4 =	sadd.s32 $0xFFFFFF00, s4  }
0x195: {  	[tilespmem:s2+$0xFFFFFFA0] =	vst v6;
	v4 =	vperm.xlane v4, v0  }
0x196: {  	[tilespmem:s2+$0xFFFFFFB0] =	vst v7;
	v2 =	vperm.xlane v2, v0  }
0x197: {  	[tilespmem:s2+$0xFFFFFFC0] =	vst v4;
	v1 =	vperm.xlane v1, v0  }
0x198: {  	[tilespmem:s2+$0xFFFFFFD0] =	vst v2;
	v2 =	vperm.xlane v3, v0  }
0x199: {  	v3 =	vperm.xlane v5, v0;
	[tilespmem:s2+$0xFFFFFFE0] =	vst v1  }
0x19a: {  	[tilespmem:s2+$0xFFFFFFF0] =	vst v2  }
0x19b: {  	s20 =	sadd.s32 s23, s14;
	[tilespmem:s2+$0xFFFFFF90] =	vst v3  }
0x19c: {  	[hbm4b:s20+s26] =	stream.strided.scatter [tilespmem:s8], [sflag:$0xA], $0x2000, s28, s26, $0x38;
	[tilespmem:$0x18000] =	vst v63  }
0x19d: {  	s4 =	simm.s32 @!p0 $0x100;
	s2 =	rddreg [dreg:$0x10]  }
0x19e: {  	s19 =	simm.s32 @!p0 $0x400;
	s20 =	simm.s32 @!p0 $0xA000;
	s2 =	sadd.s32 @!p0 s0, s2  }
0x19f: {  	[tilespmem:s20], [sflag:$0x6] =	stream.strided.gather @!p0 [hbm4b:s2+s4], $0x2000, s19, s4, $0x38;
	[tilespmem:$0x18000] =	vst v63  }
0x1a0: {  	_ =	swait.ge [sflag:s13], $0x2000  }
0x1a1: {  	[sflag:s13] =	ssyncset.done $0x0  }
0x1a2: {  	[sflag:s13] =	ssyncadd.s32 $0xFFFFE000  }
0x1a3: {  	_ =	swait.ge [sflag:s10], $0x2000  }
0x1a4: {  	[sflag:s10] =	ssyncset.done $0x0  }
0x1a5: {  	s21 =	simm.s32 $0xDF70;
	[sflag:s10] =	ssyncadd.s32 $0xFFFFE000  }
0x1a6: {  	v3 =	vld [tilespmem:s21+$0xFFFFFF90]  }
0x1a7: {  	v5 =	vld [tilespmem:s21+$0xFFFFFFF0]  }
0x1a8: {  	v7 =	vld [tilespmem:s21+$0xFFFFFFE0]  }
0x1a9: {  	v4 =	vld [tilespmem:s21+$0xFFFFFFD0]  }
0x1aa: {  	v2 =	vld [tilespmem:s21+$0xFFFFFFC0]  }
0x1ab: {  	v1 =	vld [tilespmem:s21+$0xFFFFFFB0];
	v8 =	vperm.xlane v3, v0  }
0x1ac: {  	s19 =	simm.s32 $0x14040;
	v3 =	vld [tilespmem:s21+$0xFFFFFFA0];
	v6 =	vperm.xlane v5, v0  }
0x1ad: {  	s20 =	simm.s32 $0x0;
	s4 =	simm.s32 $0xDFF0;
	v5 =	vld [tilespmem:s21+$0x0];
	v7 =	vperm.xlane v7, v0;
	s21 =	simm.s32 $0xDE70;
	[tilespmem:s19+$0x30] =	vst v8  }
.LBB2_39:
0x1ae: {  	v8 =	vld [tilespmem:s21+$0xFFFFFF90];
	s20 =	sadd.s32 $0x80, s20;
	[tilespmem:s19+$0xFFFFFFD0] =	vst v6;
	v4 =	vperm.xlane v4, v0  }
0x1af: {  	v6 =	vld [tilespmem:s21+$0xFFFFFFF0];
	p1 =	slt.u32 s20, $0xF80;
	[tilespmem:s19+$0xFFFFFFE0] =	vst v7;
	v2 =	vperm.xlane v2, v0  }
0x1b0: {  	v7 =	vld [tilespmem:s21+$0xFFFFFFE0];
	[tilespmem:s19+$0xFFFFFFF0] =	vst v4;
	v1 =	vperm.xlane v1, v0  }
.Ltmp23:
0x1b1: {  	v4 =	vld [tilespmem:s21+$0xFFFFFFD0];
	[tilespmem:s19+$0x0] =	vst v2;
	v3 =	vperm.xlane v3, v0;
	(pc) =	sbr.rel @p1 .LBB2_39-.Ltmp23, $4  }
0x1b2: {  	v2 =	vld [tilespmem:s21+$0xFFFFFFC0];
	v5 =	vperm.xlane v5, v0;
	[tilespmem:s19+$0x10] =	vst v1  }
0x1b3: {  	v1 =	vld [tilespmem:s21+$0xFFFFFFB0];
	v8 =	vperm.xlane v8, v0;
	[tilespmem:s19+$0x20] =	vst v3  }
0x1b4: {  	v6 =	vperm.xlane v6, v0;
	v3 =	vld [tilespmem:s21+$0xFFFFFFA0];
	[tilespmem:s19+$0xFFFFFFC0] =	vst v5;
	s19 =	sadd.s32 $0x100, s19  }
0x1b5: {  	s2 =	simm.s32 $0x140F0;
	v5 =	vld [tilespmem:s21+$0x0];
	v7 =	vperm.xlane v7, v0;
	[tilespmem:s19+$0x30] =	vst v8;
	s21 =	sadd.s32 $0xFFFFFF00, s21  }
0x1b6: {  	[tilespmem:s19+$0xFFFFFFD0] =	vst v6;
	v4 =	vperm.xlane v4, v0  }
0x1b7: {  	[tilespmem:s19+$0xFFFFFFE0] =	vst v7;
	v2 =	vperm.xlane v2, v0  }
0x1b8: {  	[tilespmem:s19+$0xFFFFFFF0] =	vst v4;
	v1 =	vperm.xlane v1, v0  }
0x1b9: {  	[tilespmem:s19+$0x0] =	vst v2;
	v2 =	vperm.xlane v3, v0  }
0x1ba: {  	v3 =	vperm.xlane v5, v0;
	[tilespmem:s19+$0x10] =	vst v1  }
0x1bb: {  	[tilespmem:s19+$0x20] =	vst v2  }
0x1bc: {  	[tilespmem:s19+$0xFFFFFFC0] =	vst v3  }
0x1bd: {  	v3 =	vld [tilespmem:s4+$0xFFFFFF90]  }
0x1be: {  	v5 =	vld [tilespmem:s4+$0xFFFFFFF0]  }
0x1bf: {  	v7 =	vld [tilespmem:s4+$0xFFFFFFE0]  }
0x1c0: {  	v4 =	vld [tilespmem:s4+$0xFFFFFFD0]  }
0x1c1: {  	v2 =	vld [tilespmem:s4+$0xFFFFFFC0]  }
0x1c2: {  	v1 =	vld [tilespmem:s4+$0xFFFFFFB0];
	v8 =	vperm.xlane v3, v0  }
0x1c3: {  	v3 =	vld [tilespmem:s4+$0xFFFFFFA0];
	v6 =	vperm.xlane v5, v0  }
0x1c4: {  	s19 =	simm.s32 $0x0;
	v5 =	vld [tilespmem:s4+$0x0];
	v7 =	vperm.xlane v7, v0;
	s4 =	simm.s32 $0xDEF0;
	[tilespmem:s2+$0x0] =	vst v8  }
.LBB2_41:
0x1c5: {  	v8 =	vld [tilespmem:s4+$0xFFFFFF90];
	s19 =	sadd.s32 $0x80, s19;
	[tilespmem:s2+$0xFFFFFFA0] =	vst v6;
	v4 =	vperm.xlane v4, v0  }
0x1c6: {  	v6 =	vld [tilespmem:s4+$0xFFFFFFF0];
	p1 =	slt.u32 s19, $0xF80;
	[tilespmem:s2+$0xFFFFFFB0] =	vst v7;
	v2 =	vperm.xlane v2, v0  }
0x1c7: {  	v7 =	vld [tilespmem:s4+$0xFFFFFFE0];
	[tilespmem:s2+$0xFFFFFFC0] =	vst v4;
	v1 =	vperm.xlane v1, v0  }
.Ltmp24:
0x1c8: {  	v4 =	vld [tilespmem:s4+$0xFFFFFFD0];
	[tilespmem:s2+$0xFFFFFFD0] =	vst v2;
	v3 =	vperm.xlane v3, v0;
	(pc) =	sbr.rel @p1 .LBB2_41-.Ltmp24, $4  }
0x1c9: {  	v2 =	vld [tilespmem:s4+$0xFFFFFFC0];
	v5 =	vperm.xlane v5, v0;
	[tilespmem:s2+$0xFFFFFFE0] =	vst v1  }
0x1ca: {  	v1 =	vld [tilespmem:s4+$0xFFFFFFB0];
	v8 =	vperm.xlane v8, v0;
	[tilespmem:s2+$0xFFFFFFF0] =	vst v3  }
0x1cb: {  	v6 =	vperm.xlane v6, v0;
	v3 =	vld [tilespmem:s4+$0xFFFFFFA0];
	[tilespmem:s2+$0xFFFFFF90] =	vst v5;
	s2 =	sadd.s32 $0x100, s2  }
0x1cc: {  	v5 =	vld [tilespmem:s4+$0x0];
	v7 =	vperm.xlane v7, v0;
	[tilespmem:s2+$0x0] =	vst v8;
	s4 =	sadd.s32 $0xFFFFFF00, s4  }
0x1cd: {  	[tilespmem:s2+$0xFFFFFFA0] =	vst v6;
	v4 =	vperm.xlane v4, v0  }
0x1ce: {  	[tilespmem:s2+$0xFFFFFFB0] =	vst v7;
	v2 =	vperm.xlane v2, v0  }
0x1cf: {  	[tilespmem:s2+$0xFFFFFFC0] =	vst v4;
	v1 =	vperm.xlane v1, v0  }
0x1d0: {  	[tilespmem:s2+$0xFFFFFFD0] =	vst v2;
	v2 =	vperm.xlane v3, v0  }
0x1d1: {  	v3 =	vperm.xlane v5, v0;
	[tilespmem:s2+$0xFFFFFFE0] =	vst v1  }
0x1d2: {  	[tilespmem:s2+$0xFFFFFFF0] =	vst v2  }
0x1d3: {  	s20 =	sadd.s32 s23, s16;
	[tilespmem:s2+$0xFFFFFF90] =	vst v3  }
0x1d4: {  	[hbm4b:s20+s26] =	stream.strided.scatter [tilespmem:s11], [sflag:$0xB], $0x2000, s28, s26, $0x38;
	[tilespmem:$0x18000] =	vst v63  }
0x1d5: {  	s4 =	simm.s32 @!p0 $0x100;
	s2 =	rddreg [dreg:$0x11]  }
0x1d6: {  	s19 =	simm.s32 @!p0 $0x400;
	s20 =	simm.s32 @!p0 $0xC000;
	s2 =	sadd.s32 @!p0 s0, s2  }
0x1d7: {  	[tilespmem:s20], [sflag:$0x7] =	stream.strided.gather @!p0 [hbm4b:s2+s4], $0x2000, s19, s4, $0x38;
	[tilespmem:$0x18000] =	vst v63  }
0x1d8: {  	_ =	swait.ge [sflag:s15], $0x2000  }
0x1d9: {  	[sflag:s15] =	ssyncset.done $0x0  }
0x1da: {  	[sflag:s15] =	ssyncadd.s32 $0xFFFFE000  }
0x1db: {  	_ =	swait.ge [sflag:s24], $0x2000  }
0x1dc: {  	[sflag:s24] =	ssyncset.done $0x0  }
0x1dd: {  	s21 =	simm.s32 $0xFF70;
	[sflag:s24] =	ssyncadd.s32 $0xFFFFE000  }
0x1de: {  	v3 =	vld [tilespmem:s21+$0xFFFFFF90]  }
0x1df: {  	v5 =	vld [tilespmem:s21+$0xFFFFFFF0]  }
0x1e0: {  	v7 =	vld [tilespmem:s21+$0xFFFFFFE0]  }
0x1e1: {  	v4 =	vld [tilespmem:s21+$0xFFFFFFD0]  }
0x1e2: {  	v2 =	vld [tilespmem:s21+$0xFFFFFFC0]  }
0x1e3: {  	v1 =	vld [tilespmem:s21+$0xFFFFFFB0];
	v8 =	vperm.xlane v3, v0  }
0x1e4: {  	s19 =	simm.s32 $0x16040;
	v3 =	vld [tilespmem:s21+$0xFFFFFFA0];
	v6 =	vperm.xlane v5, v0  }
0x1e5: {  	s20 =	simm.s32 $0x0;
	s4 =	simm.s32 $0xFFF0;
	v5 =	vld [tilespmem:s21+$0x0];
	v7 =	vperm.xlane v7, v0;
	s21 =	simm.s32 $0xFE70;
	[tilespmem:s19+$0x30] =	vst v8  }
.LBB2_43:
0x1e6: {  	v8 =	vld [tilespmem:s21+$0xFFFFFF90];
	s20 =	sadd.s32 $0x80, s20;
	[tilespmem:s19+$0xFFFFFFD0] =	vst v6;
	v4 =	vperm.xlane v4, v0  }
0x1e7: {  	v6 =	vld [tilespmem:s21+$0xFFFFFFF0];
	p1 =	slt.u32 s20, $0xF80;
	[tilespmem:s19+$0xFFFFFFE0] =	vst v7;
	v2 =	vperm.xlane v2, v0  }
0x1e8: {  	v7 =	vld [tilespmem:s21+$0xFFFFFFE0];
	[tilespmem:s19+$0xFFFFFFF0] =	vst v4;
	v1 =	vperm.xlane v1, v0  }
.Ltmp25:
0x1e9: {  	v4 =	vld [tilespmem:s21+$0xFFFFFFD0];
	[tilespmem:s19+$0x0] =	vst v2;
	v3 =	vperm.xlane v3, v0;
	(pc) =	sbr.rel @p1 .LBB2_43-.Ltmp25, $4  }
0x1ea: {  	v2 =	vld [tilespmem:s21+$0xFFFFFFC0];
	v5 =	vperm.xlane v5, v0;
	[tilespmem:s19+$0x10] =	vst v1  }
0x1eb: {  	v1 =	vld [tilespmem:s21+$0xFFFFFFB0];
	v8 =	vperm.xlane v8, v0;
	[tilespmem:s19+$0x20] =	vst v3  }
0x1ec: {  	v6 =	vperm.xlane v6, v0;
	v3 =	vld [tilespmem:s21+$0xFFFFFFA0];
	[tilespmem:s19+$0xFFFFFFC0] =	vst v5;
	s19 =	sadd.s32 $0x100, s19  }
0x1ed: {  	s2 =	simm.s32 $0x160F0;
	v5 =	vld [tilespmem:s21+$0x0];
	v7 =	vperm.xlane v7, v0;
	[tilespmem:s19+$0x30] =	vst v8;
	s21 =	sadd.s32 $0xFFFFFF00, s21  }
0x1ee: {  	[tilespmem:s19+$0xFFFFFFD0] =	vst v6;
	v4 =	vperm.xlane v4, v0  }
0x1ef: {  	[tilespmem:s19+$0xFFFFFFE0] =	vst v7;
	v2 =	vperm.xlane v2, v0  }
0x1f0: {  	[tilespmem:s19+$0xFFFFFFF0] =	vst v4;
	v1 =	vperm.xlane v1, v0  }
0x1f1: {  	[tilespmem:s19+$0x0] =	vst v2;
	v2 =	vperm.xlane v3, v0  }
0x1f2: {  	v3 =	vperm.xlane v5, v0;
	[tilespmem:s19+$0x10] =	vst v1  }
0x1f3: {  	[tilespmem:s19+$0x20] =	vst v2  }
0x1f4: {  	[tilespmem:s19+$0xFFFFFFC0] =	vst v3  }
0x1f5: {  	v3 =	vld [tilespmem:s4+$0xFFFFFF90]  }
0x1f6: {  	v5 =	vld [tilespmem:s4+$0xFFFFFFF0]  }
0x1f7: {  	v7 =	vld [tilespmem:s4+$0xFFFFFFE0]  }
0x1f8: {  	v4 =	vld [tilespmem:s4+$0xFFFFFFD0]  }
0x1f9: {  	v2 =	vld [tilespmem:s4+$0xFFFFFFC0]  }
0x1fa: {  	v1 =	vld [tilespmem:s4+$0xFFFFFFB0];
	v8 =	vperm.xlane v3, v0  }
0x1fb: {  	v3 =	vld [tilespmem:s4+$0xFFFFFFA0];
	v6 =	vperm.xlane v5, v0  }
0x1fc: {  	s19 =	simm.s32 $0x0;
	v5 =	vld [tilespmem:s4+$0x0];
	v7 =	vperm.xlane v7, v0;
	s4 =	simm.s32 $0xFEF0;
	[tilespmem:s2+$0x0] =	vst v8  }
.LBB2_45:
0x1fd: {  	v8 =	vld [tilespmem:s4+$0xFFFFFF90];
	s19 =	sadd.s32 $0x80, s19;
	[tilespmem:s2+$0xFFFFFFA0] =	vst v6;
	v4 =	vperm.xlane v4, v0  }
0x1fe: {  	v6 =	vld [tilespmem:s4+$0xFFFFFFF0];
	p1 =	slt.u32 s19, $0xF80;
	[tilespmem:s2+$0xFFFFFFB0] =	vst v7;
	v2 =	vperm.xlane v2, v0  }
0x1ff: {  	v7 =	vld [tilespmem:s4+$0xFFFFFFE0];
	[tilespmem:s2+$0xFFFFFFC0] =	vst v4;
	v1 =	vperm.xlane v1, v0  }
.Ltmp26:
0x200: {  	v4 =	vld [tilespmem:s4+$0xFFFFFFD0];
	[tilespmem:s2+$0xFFFFFFD0] =	vst v2;
	v3 =	vperm.xlane v3, v0;
	(pc) =	sbr.rel @p1 .LBB2_45-.Ltmp26, $4  }
0x201: {  	v2 =	vld [tilespmem:s4+$0xFFFFFFC0];
	v5 =	vperm.xlane v5, v0;
	[tilespmem:s2+$0xFFFFFFE0] =	vst v1  }
0x202: {  	v1 =	vld [tilespmem:s4+$0xFFFFFFB0];
	v8 =	vperm.xlane v8, v0;
	[tilespmem:s2+$0xFFFFFFF0] =	vst v3  }
0x203: {  	v6 =	vperm.xlane v6, v0;
	v3 =	vld [tilespmem:s4+$0xFFFFFFA0];
	[tilespmem:s2+$0xFFFFFF90] =	vst v5;
	s2 =	sadd.s32 $0x100, s2  }
0x204: {  	v5 =	vld [tilespmem:s4+$0x0];
	v7 =	vperm.xlane v7, v0;
	[tilespmem:s2+$0x0] =	vst v8;
	s4 =	sadd.s32 $0xFFFFFF00, s4  }
0x205: {  	[tilespmem:s2+$0xFFFFFFA0] =	vst v6;
	v4 =	vperm.xlane v4, v0  }
0x206: {  	[tilespmem:s2+$0xFFFFFFB0] =	vst v7;
	v2 =	vperm.xlane v2, v0  }
0x207: {  	[tilespmem:s2+$0xFFFFFFC0] =	vst v4;
	v1 =	vperm.xlane v1, v0  }
.Ltmp27:
0x208: {  	[tilespmem:s2+$0xFFFFFFD0] =	vst v2;
	v2 =	vperm.xlane v3, v0;
	(pc) =	sbr.rel @p0 .LBB2_48-.Ltmp27, $4  }
0x209: {  	v3 =	vperm.xlane v5, v0;
	[tilespmem:s2+$0xFFFFFFE0] =	vst v1  }
0x20a: {  	[tilespmem:s2+$0xFFFFFFF0] =	vst v2  }
0x20b: {  	s23 =	sadd.s32 s23, s18;
	[tilespmem:s2+$0xFFFFFF90] =	vst v3  }
0x20c: {  	[hbm4b:s23+s26] =	stream.strided.scatter [tilespmem:s5], [sflag:$0xC], $0x2000, s28, s26, $0x38;
	[tilespmem:$0x18000] =	vst v63  }
.Ltmp28:
0x20d: {  	(pc) =	sbr.rel .LBB2_2-.Ltmp28, $4  }
0x20e: {  	_ = 	snop  }
0x20f: {  	s2 =	rddreg [dreg:$0x12]  }
0x210: {  	s23 =	simm.s32 $0xE000;
	s17 =	sadd.s32 $0x1, s17;
	s0 =	sadd.s32 s0, s2  }
0x211: {  	[tilespmem:s23], [sflag:$0x8] =	stream.strided.gather [hbm4b:s0+s26], $0x2000, s28, s26, $0x38;
	[tilespmem:$0x18000] =	vst v63  }
.LBB2_49:
0x212: {  	_ =	sfence.sel $0x180000  }
0x213: {  	[bflag:$0x0] =	sbarrier.arrive $0xFFFF  }
0x214: {  	_ =	strace $0x90000047  }
0x215: {  	s0 =	stileid.u32;
	[bflag:$0x2] =	sbarrier.arrive $0xFFFF  }
0x216: {  	p0 =	sne.s32 s0, $0x0;
	s0 =	rddreg [dreg:$0x2]  }
0x217: {  	s0 =	sadd.s32 @!p0 $0x100000, s0  }
0x218: {  	[sflag:s0] =	ssyncadd.tile.s32 @!p0 $0x1;
	_ =	shalt  }
.Lfunc_end2:
_tile_overlayer_lowered:
.L_overlay_start_2:
0x219: {  	(tag) =	ssettag $0x2  }
0x21a: {  	s0 =	rddreg [dreg:$0x0];
	s2 =	stileid.u32  }
0x21b: {  	s1 =	rddreg [dreg:$0x1];
	p0 =	sne.s32 s2, $0x0  }
0x21c: {  	s3 =	rddreg [dreg:$0x2];
	[bflag:$0x3] =	sbarrier.arrive $0xFFFF;
	s2 =	simm.s32 @!p0 $0x1C0D  }
0x21d: {  	[timem:s3], [sflag:s2] =	dma.local @!p0 [hbm:s0], s1  }
0x21e: {  	s0 =	simm.s32 @!p0 $0xD  }
0x21f: {  	_ =	swait.ge @!p0 [sflag:s0], s1  }
0x220: {  	s1 =	ssub.s32 @!p0 $0x0, s1;
	[sflag:s0] =	ssyncset.done @!p0 $0x0  }
0x221: {  	[sflag:s0] =	ssyncadd.s32 @!p0 s1  }
0x222: {  	[bflag:$0x3] =	sbarrier.arrive $0xFFFF  }
0x223: {  	_ =	shalt  }

</sc_bundles>
